<compile_context>
chip_gen: v7x
topology: tpu7x:2x2x1
jax: 0.10.2.dev20260603
libtpu: 0.0.44.dev20260713+nightly
codegen_flags: <defaults>
</compile_context>

<pallas_src>
import functools
import numpy as np
import jax
import jax.numpy as jnp
from jax import lax
from jax.experimental import pallas as pl
from jax.experimental.pallas import tpu as pltpu
from jax.experimental.pallas import tpu_sc as plsc

F = 26
D = 64
B = 4096
N = B * F
FD = F * D
G = F * F
NC, NS = 2, 16
NW = NC * NS
N_PER_W = N // NW
CH = 128
NCH = N_PER_W // CH
HALF = NCH // 2


def _sc_gather(table, idx2):
  mesh = plsc.VectorSubcoreMesh(core_axis_name="c", subcore_axis_name="s")

  @functools.partial(
      pl.kernel,
      out_type=jax.ShapeDtypeStruct((N, D), jnp.float32),
      mesh=mesh,
      compiler_params=pltpu.CompilerParams(use_tc_tiling_on_sc=False),
      scratch_types=[
          pltpu.VMEM((NCH, CH), jnp.int32),
          pltpu.VMEM((HALF * CH, D), jnp.float32),
          pltpu.SemaphoreType.DMA,
      ],
  )
  def k(table_hbm, idx_hbm, out_hbm, idx_v, rows_v, sem):
    wid = lax.axis_index("s") * NC + lax.axis_index("c")
    base = wid * N_PER_W
    pltpu.sync_copy(idx_hbm.at[wid], idx_v)
    for h in range(2):
      for c in range(HALF):
        j = h * HALF + c
        pltpu.async_copy(
            table_hbm.at[idx_v.at[j]],
            rows_v.at[pl.ds(c * CH, CH)],
            sem,
        )
      for c in range(HALF):
        pltpu.make_async_copy(
            table_hbm.at[idx_v.at[h * HALF + c]],
            rows_v.at[pl.ds(c * CH, CH)],
            sem,
        ).wait()
      pltpu.sync_copy(
          rows_v, out_hbm.at[pl.ds(base + h * HALF * CH, HALF * CH)]
      )

  return k(table, idx2)


def _tc_body(arch_ref, xv_ref, w1a_ref, w1b_ref, b1_ref,
             w2_ref, b2_ref, w3_ref, b3_ref, wo_ref, bo_ref, out_ref):
  R = out_ref.shape[0]
  a = arch_ref[...]
  m = jnp.max(a, axis=1, keepdims=True)
  e = jnp.exp(a - m)
  prob = e / jnp.sum(e, axis=1, keepdims=True)

  ids = lax.broadcasted_iota(jnp.int32, (1, FD), 1) // D
  scale = jnp.zeros((1, FD), jnp.float32)
  for f in range(F):
    pf = lax.slice(prob, (0, f), (1, f + 1))
    scale = scale + jnp.where(ids == f, pf, 0.0)

  xe = (xv_ref[...] * scale).astype(jnp.bfloat16)
  xe3 = xe.reshape(R, F, D)
  gram = lax.dot_general(
      xe3, xe3, (((2,), (2,)), ((0,), (0,))),
      preferred_element_type=jnp.float32)
  gramf = gram.reshape(R, G).astype(jnp.bfloat16)

  h = jnp.maximum(
      jnp.dot(xe, w1a_ref[...], preferred_element_type=jnp.float32)
      + jnp.dot(gramf, w1b_ref[...], preferred_element_type=jnp.float32)
      + b1_ref[...], 0.0).astype(jnp.bfloat16)
  h = jnp.maximum(
      jnp.dot(h, w2_ref[...], preferred_element_type=jnp.float32)
      + b2_ref[...], 0.0).astype(jnp.bfloat16)
  h = jnp.maximum(
      jnp.dot(h, w3_ref[...], preferred_element_type=jnp.float32)
      + b3_ref[...], 0.0)
  out_ref[...] = (
      jnp.sum(h * wo_ref[...], axis=1, keepdims=True) + bo_ref[...])


def kernel(x, beta, arch, embedding, W1, b1, W2, b2, W3, b3, Wo, bo):
  idx2 = x.reshape(NW, NCH, CH).astype(jnp.int32)
  xvflat = _sc_gather(embedding, idx2)
  xv = xvflat.reshape(B, FD)

  arch_p = jnp.full((1, 128), -1e30, jnp.float32)
  arch_p = arch_p.at[0, :F].set(arch / beta)

  rows, cols = np.triu_indices(F, k=1)
  pos = rows * F + cols
  W1a = W1[:FD].astype(jnp.bfloat16)
  W1b = (jnp.zeros((G, 1024), jnp.float32).at[pos].set(W1[FD:])
         .astype(jnp.bfloat16))

  R = 256
  grid = (B // R,)
  out = pl.pallas_call(
      _tc_body,
      grid=grid,
      in_specs=[
          pl.BlockSpec((1, 128), lambda i: (0, 0)),
          pl.BlockSpec((R, FD), lambda i: (i, 0)),
          pl.BlockSpec((FD, 1024), lambda i: (0, 0)),
          pl.BlockSpec((G, 1024), lambda i: (0, 0)),
          pl.BlockSpec((1, 1024), lambda i: (0, 0)),
          pl.BlockSpec((1024, 512), lambda i: (0, 0)),
          pl.BlockSpec((1, 512), lambda i: (0, 0)),
          pl.BlockSpec((512, 256), lambda i: (0, 0)),
          pl.BlockSpec((1, 256), lambda i: (0, 0)),
          pl.BlockSpec((1, 256), lambda i: (0, 0)),
          pl.BlockSpec((1, 1), lambda i: (0, 0)),
      ],
      out_specs=pl.BlockSpec((R, 1), lambda i: (i, 0)),
      out_shape=jax.ShapeDtypeStruct((B, 1), jnp.float32),
      compiler_params=pltpu.CompilerParams(
          dimension_semantics=("parallel",),
      ),
  )(arch_p, xv, W1a, W1b, b1.reshape(1, 1024),
    W2.astype(jnp.bfloat16), b2.reshape(1, 512),
    W3.astype(jnp.bfloat16), b3.reshape(1, 256), Wo.reshape(1, 256),
    bo.reshape(1, 1))
  return out[:, 0]

# --- scband reference (transcript-rebuilt; emitter-appended) ---
"""Pipeline reference for scband-ipnn-search-7859790151731 (READ-ONLY COPY).

The authoritative reference and input builder live on the scoring server;
editing this copy changes nothing except your own understanding.
"""

import jax, jax.numpy as jnp
import numpy as np

FIELD_NUM = 26
LATENT = 64
FEATURE_NUM = 26000
BATCH = 4096
EMBED_OUT = FIELD_NUM * LATENT
PROD_OUT = FIELD_NUM * (FIELD_NUM - 1) // 2
DNN_IN = EMBED_OUT + PROD_OUT
MLP_DIMS = [1024, 512, 256]


def setup_inputs(seed: int = 0) -> dict:
    key = jax.random.key(seed)
    ks = jax.random.split(key, 16)
    x = jax.random.randint(ks[0], (BATCH, FIELD_NUM), 0, FEATURE_NUM, dtype=jnp.int64 if jax.config.jax_enable_x64 else jnp.int32)
    arch = jax.random.normal(ks[1], (FIELD_NUM,), dtype=jnp.float32)
    # xavier-uniform embedding table
    bound = float(np.sqrt(6.0 / (FEATURE_NUM + LATENT)))
    embedding = jax.random.uniform(ks[2], (FEATURE_NUM, LATENT), jnp.float32, -bound, bound)
    inp = {"x": x, "beta": 1, "arch": arch, "embedding": embedding}
    dims = [DNN_IN] + MLP_DIMS
    for i in range(len(MLP_DIMS)):
        b = float(np.sqrt(6.0 / (dims[i] + dims[i + 1])))
        inp[f"W{i+1}"] = jax.random.uniform(ks[3 + 2 * i], (dims[i], dims[i + 1]), jnp.float32, -b, b)
        inp[f"b{i+1}"] = jnp.zeros((dims[i + 1],), jnp.float32)
    bo = float(np.sqrt(6.0 / (dims[-1] + 1)))
    inp["Wo"] = jax.random.uniform(ks[10], (dims[-1], 1), jnp.float32, -bo, bo)
    inp["bo"] = jnp.zeros((1,), jnp.float32)
    return inp


def reference(x, beta, arch, embedding, W1, b1, W2, b2, W3, b3, Wo, bo):
    # calc_input: embedding lookup + arch-prob scaling
    prob = jax.nn.softmax(arch / beta, axis=0)  # [F]
    xv = jnp.take(embedding, x, axis=0)  # [B, F, D] gather
    xe = xv * prob[None, :, None]
    # calc_product: inner-product of all field pairs
    rows, cols = np.triu_indices(FIELD_NUM, k=1)
    p = xe[:, rows, :]  # [B, P, D]
    q = xe[:, cols, :]
    product = jnp.sum(p * q, axis=2)  # [B, P]
    flat = xe.reshape(xe.shape[0], EMBED_OUT)
    h = jnp.concatenate([flat, product], axis=1)
    # MLP (dropout is identity at inference)
    h = jax.nn.relu(h @ W1 + b1)
    h = jax.nn.relu(h @ W2 + b2)
    h = jax.nn.relu(h @ W3 + b3)
    score = h @ Wo + bo  # [B, 1]
    return jnp.squeeze(score, axis=1)

if __name__ == "__main__":
    import jax
    _d = setup_inputs()
    print(jax.jit(kernel)(*tuple(_d.values())))

</pallas_src>

<mosaic_0001>
#map = affine_map<(d0, d1) -> (0, 0)>
#map1 = affine_map<(d0, d1) -> (0, 0, 0)>
module attributes {stable_mosaic.version = 14 : i64} {
  func.func @k(%arg0: i32, %arg1: i32, %arg2: memref<26000x64xf32, #tpu.memory_space<hbm>>, %arg3: memref<32x26x128xi32, #tpu.memory_space<hbm>>, %arg4: memref<106496x64xf32, #tpu.memory_space<hbm>>, %arg5: memref<26x128xi32, #tpu.memory_space<vmem>>, %arg6: memref<1664x64xf32, #tpu.memory_space<vmem>>, %arg7: memref<!tpu.dma_semaphore, #tpu.memory_space<semaphore_mem>>) attributes {dimension_semantics = [#tpu.dimension_semantics<core_parallel>, #tpu.dimension_semantics<subcore_parallel>], iteration_bounds = array<i64: 2, 16>, scalar_prefetch = 0 : i64, scratch_operands = 3 : i64, tpu.core_type = #tpu.core_type<sc_vector_subcore>, window_params = [{transform_indices = #map}, {transform_indices = #map1}, {transform_indices = #map}]} {
    %mul3A = arith.constant 2 : i32
    %mul3A_0 = arith.muli %arg1, %mul3A : i32
    %add3A = arith.addi %mul3A_0, %arg0 : i32
    %mul3A_1 = arith.constant 3328 : i32
    %mul3A_2 = arith.muli %add3A, %mul3A_1 : i32
    "tpu.region"() ({
      %run_scoped3A = tpu.sem_alloc : memref<!tpu.dma_semaphore, #tpu.memory_space<semaphore_mem>>
      %dma_start3A_525 = arith.constant 0 : i32
      %dma_start3A_526 = arith.constant 0 : i32
      %dma_start3A_527 = tpu.memref_slice %arg3[%add3A, %dma_start3A_525, %dma_start3A_526] : memref<32x26x128xi32, #tpu.memory_space<hbm>> -> memref<1x26x128xi32, #tpu.memory_space<hbm>>
      %dma_start3A_528 = tpu.memref_squeeze %dma_start3A_527 : memref<1x26x128xi32, #tpu.memory_space<hbm>> -> memref<26x128xi32, #tpu.memory_space<hbm>>
      %dma_start3A_529 = arith.constant 0 : i32
      %dma_start3A_530 = arith.constant 0 : i32
      %dma_start3A_531 = tpu.memref_slice %arg3[%add3A, %dma_start3A_529, %dma_start3A_530] : memref<32x26x128xi32, #tpu.memory_space<hbm>> -> memref<1x26x128xi32, #tpu.memory_space<hbm>>
      %dma_start3A_532 = tpu.memref_squeeze %dma_start3A_531 : memref<1x26x128xi32, #tpu.memory_space<hbm>> -> memref<26x128xi32, #tpu.memory_space<hbm>>
      tpu.enqueue_dma source(%dma_start3A_532 : memref<26x128xi32, #tpu.memory_space<hbm>>) target(%arg5 : memref<26x128xi32, #tpu.memory_space<vmem>>) target_semaphore(%run_scoped3A : memref<!tpu.dma_semaphore, #tpu.memory_space<semaphore_mem>>)
      %dma_wait3A_533 = arith.constant 0 : i32
      %dma_wait3A_534 = arith.constant 0 : i32
      %dma_wait3A_535 = tpu.memref_slice %arg3[%add3A, %dma_wait3A_533, %dma_wait3A_534] : memref<32x26x128xi32, #tpu.memory_space<hbm>> -> memref<1x26x128xi32, #tpu.memory_space<hbm>>
      %dma_wait3A_536 = tpu.memref_squeeze %dma_wait3A_535 : memref<1x26x128xi32, #tpu.memory_space<hbm>> -> memref<26x128xi32, #tpu.memory_space<hbm>>
      %dma_wait3A_537 = arith.constant 0 : i32
      %dma_wait3A_538 = arith.constant 0 : i32
      %dma_wait3A_539 = tpu.memref_slice %arg3[%add3A, %dma_wait3A_537, %dma_wait3A_538] : memref<32x26x128xi32, #tpu.memory_space<hbm>> -> memref<1x26x128xi32, #tpu.memory_space<hbm>>
      %dma_wait3A_540 = tpu.memref_squeeze %dma_wait3A_539 : memref<1x26x128xi32, #tpu.memory_space<hbm>> -> memref<26x128xi32, #tpu.memory_space<hbm>>
      tpu.wait_dma2 semaphore(%run_scoped3A : memref<!tpu.dma_semaphore, #tpu.memory_space<semaphore_mem>>) src(%dma_wait3A_540 : memref<26x128xi32, #tpu.memory_space<hbm>>) dst(%arg5 : memref<26x128xi32, #tpu.memory_space<vmem>>)
      tpu.yield
    }) : () -> ()
    %dma_start3A = arith.constant 0 : i32
    %dma_start3A_3 = arith.constant 0 : i32
    %dma_start3A_4 = arith.constant 0 : i32
    %dma_start3A_5 = tpu.memref_slice %arg6[%dma_start3A_3, %dma_start3A_4] : memref<1664x64xf32, #tpu.memory_space<vmem>> -> memref<128x64xf32, #tpu.memory_space<vmem>>
    %dma_start3A_6 = arith.constant 0 : i32
    %dma_start3A_7 = tpu.memref_slice %arg5[%dma_start3A, %dma_start3A_6] : memref<26x128xi32, #tpu.memory_space<vmem>> -> memref<1x128xi32, #tpu.memory_space<vmem>>
    %dma_start3A_8 = tpu.memref_squeeze %dma_start3A_7 : memref<1x128xi32, #tpu.memory_space<vmem>> -> memref<128xi32, #tpu.memory_space<vmem>>
    %dma_start3A_9 = arith.constant 0 : i32
    %dma_start3A_10 = arith.constant 0 : i32
    %dma_start3A_11 = tpu.memref_slice %arg2[%dma_start3A_9, %dma_start3A_10] : memref<26000x64xf32, #tpu.memory_space<hbm>> -> memref<26000x64xf32, #tpu.memory_space<hbm>>
    tpu.enqueue_indirect_dma source(%dma_start3A_11 : memref<26000x64xf32, #tpu.memory_space<hbm>>) target(%dma_start3A_5 : memref<128x64xf32, #tpu.memory_space<vmem>>) offsets(%dma_start3A_8 : memref<128xi32, #tpu.memory_space<vmem>>) semaphore(%arg7 : memref<!tpu.dma_semaphore, #tpu.memory_space<semaphore_mem>>)
    %dma_start3A_12 = arith.constant 1 : i32
    %dma_start3A_13 = arith.constant 128 : i32
    %dma_start3A_14 = arith.constant 0 : i32
    %dma_start3A_15 = tpu.memref_slice %arg6[%dma_start3A_13, %dma_start3A_14] : memref<1664x64xf32, #tpu.memory_space<vmem>> -> memref<128x64xf32, #tpu.memory_space<vmem>>
    %dma_start3A_16 = arith.constant 0 : i32
    %dma_start3A_17 = tpu.memref_slice %arg5[%dma_start3A_12, %dma_start3A_16] : memref<26x128xi32, #tpu.memory_space<vmem>> -> memref<1x128xi32, #tpu.memory_space<vmem>>
    %dma_start3A_18 = tpu.memref_squeeze %dma_start3A_17 : memref<1x128xi32, #tpu.memory_space<vmem>> -> memref<128xi32, #tpu.memory_space<vmem>>
    %dma_start3A_19 = arith.constant 0 : i32
    %dma_start3A_20 = arith.constant 0 : i32
    %dma_start3A_21 = tpu.memref_slice %arg2[%dma_start3A_19, %dma_start3A_20] : memref<26000x64xf32, #tpu.memory_space<hbm>> -> memref<26000x64xf32, #tpu.memory_space<hbm>>
    tpu.enqueue_indirect_dma source(%dma_start3A_21 : memref<26000x64xf32, #tpu.memory_space<hbm>>) target(%dma_start3A_15 : memref<128x64xf32, #tpu.memory_space<vmem>>) offsets(%dma_start3A_18 : memref<128xi32, #tpu.memory_space<vmem>>) semaphore(%arg7 : memref<!tpu.dma_semaphore, #tpu.memory_space<semaphore_mem>>)
    %dma_start3A_22 = arith.constant 2 : i32
    %dma_start3A_23 = arith.constant 256 : i32
    %dma_start3A_24 = arith.constant 0 : i32
    %dma_start3A_25 = tpu.memref_slice %arg6[%dma_start3A_23, %dma_start3A_24] : memref<1664x64xf32, #tpu.memory_space<vmem>> -> memref<128x64xf32, #tpu.memory_space<vmem>>
    %dma_start3A_26 = arith.constant 0 : i32
    %dma_start3A_27 = tpu.memref_slice %arg5[%dma_start3A_22, %dma_start3A_26] : memref<26x128xi32, #tpu.memory_space<vmem>> -> memref<1x128xi32, #tpu.memory_space<vmem>>
    %dma_start3A_28 = tpu.memref_squeeze %dma_start3A_27 : memref<1x128xi32, #tpu.memory_space<vmem>> -> memref<128xi32, #tpu.memory_space<vmem>>
    %dma_start3A_29 = arith.constant 0 : i32
    %dma_start3A_30 = arith.constant 0 : i32
    %dma_start3A_31 = tpu.memref_slice %arg2[%dma_start3A_29, %dma_start3A_30] : memref<26000x64xf32, #tpu.memory_space<hbm>> -> memref<26000x64xf32, #tpu.memory_space<hbm>>
    tpu.enqueue_indirect_dma source(%dma_start3A_31 : memref<26000x64xf32, #tpu.memory_space<hbm>>) target(%dma_start3A_25 : memref<128x64xf32, #tpu.memory_space<vmem>>) offsets(%dma_start3A_28 : memref<128xi32, #tpu.memory_space<vmem>>) semaphore(%arg7 : memref<!tpu.dma_semaphore, #tpu.memory_space<semaphore_mem>>)
    %dma_start3A_32 = arith.constant 3 : i32
    %dma_start3A_33 = arith.constant 384 : i32
    %dma_start3A_34 = arith.constant 0 : i32
    %dma_start3A_35 = tpu.memref_slice %arg6[%dma_start3A_33, %dma_start3A_34] : memref<1664x64xf32, #tpu.memory_space<vmem>> -> memref<128x64xf32, #tpu.memory_space<vmem>>
    %dma_start3A_36 = arith.constant 0 : i32
    %dma_start3A_37 = tpu.memref_slice %arg5[%dma_start3A_32, %dma_start3A_36] : memref<26x128xi32, #tpu.memory_space<vmem>> -> memref<1x128xi32, #tpu.memory_space<vmem>>
    %dma_start3A_38 = tpu.memref_squeeze %dma_start3A_37 : memref<1x128xi32, #tpu.memory_space<vmem>> -> memref<128xi32, #tpu.memory_space<vmem>>
    %dma_start3A_39 = arith.constant 0 : i32
    %dma_start3A_40 = arith.constant 0 : i32
    %dma_start3A_41 = tpu.memref_slice %arg2[%dma_start3A_39, %dma_start3A_40] : memref<26000x64xf32, #tpu.memory_space<hbm>> -> memref<26000x64xf32, #tpu.memory_space<hbm>>
    tpu.enqueue_indirect_dma source(%dma_start3A_41 : memref<26000x64xf32, #tpu.memory_space<hbm>>) target(%dma_start3A_35 : memref<128x64xf32, #tpu.memory_space<vmem>>) offsets(%dma_start3A_38 : memref<128xi32, #tpu.memory_space<vmem>>) semaphore(%arg7 : memref<!tpu.dma_semaphore, #tpu.memory_space<semaphore_mem>>)
    %dma_start3A_42 = arith.constant 4 : i32
    %dma_start3A_43 = arith.constant 512 : i32
    %dma_start3A_44 = arith.constant 0 : i32
    %dma_start3A_45 = tpu.memref_slice %arg6[%dma_start3A_43, %dma_start3A_44] : memref<1664x64xf32, #tpu.memory_space<vmem>> -> memref<128x64xf32, #tpu.memory_space<vmem>>
    %dma_start3A_46 = arith.constant 0 : i32
    %dma_start3A_47 = tpu.memref_slice %arg5[%dma_start3A_42, %dma_start3A_46] : memref<26x128xi32, #tpu.memory_space<vmem>> -> memref<1x128xi32, #tpu.memory_space<vmem>>
    %dma_start3A_48 = tpu.memref_squeeze %dma_start3A_47 : memref<1x128xi32, #tpu.memory_space<vmem>> -> memref<128xi32, #tpu.memory_space<vmem>>
    %dma_start3A_49 = arith.constant 0 : i32
    %dma_start3A_50 = arith.constant 0 : i32
    %dma_start3A_51 = tpu.memref_slice %arg2[%dma_start3A_49, %dma_start3A_50] : memref<26000x64xf32, #tpu.memory_space<hbm>> -> memref<26000x64xf32, #tpu.memory_space<hbm>>
    tpu.enqueue_indirect_dma source(%dma_start3A_51 : memref<26000x64xf32, #tpu.memory_space<hbm>>) target(%dma_start3A_45 : memref<128x64xf32, #tpu.memory_space<vmem>>) offsets(%dma_start3A_48 : memref<128xi32, #tpu.memory_space<vmem>>) semaphore(%arg7 : memref<!tpu.dma_semaphore, #tpu.memory_space<semaphore_mem>>)
    %dma_start3A_52 = arith.constant 5 : i32
    %dma_start3A_53 = arith.constant 640 : i32
    %dma_start3A_54 = arith.constant 0 : i32
    %dma_start3A_55 = tpu.memref_slice %arg6[%dma_start3A_53, %dma_start3A_54] : memref<1664x64xf32, #tpu.memory_space<vmem>> -> memref<128x64xf32, #tpu.memory_space<vmem>>
    %dma_start3A_56 = arith.constant 0 : i32
    %dma_start3A_57 = tpu.memref_slice %arg5[%dma_start3A_52, %dma_start3A_56] : memref<26x128xi32, #tpu.memory_space<vmem>> -> memref<1x128xi32, #tpu.memory_space<vmem>>
    %dma_start3A_58 = tpu.memref_squeeze %dma_start3A_57 : memref<1x128xi32, #tpu.memory_space<vmem>> -> memref<128xi32, #tpu.memory_space<vmem>>
    %dma_start3A_59 = arith.constant 0 : i32
    %dma_start3A_60 = arith.constant 0 : i32
    %dma_start3A_61 = tpu.memref_slice %arg2[%dma_start3A_59, %dma_start3A_60] : memref<26000x64xf32, #tpu.memory_space<hbm>> -> memref<26000x64xf32, #tpu.memory_space<hbm>>
    tpu.enqueue_indirect_dma source(%dma_start3A_61 : memref<26000x64xf32, #tpu.memory_space<hbm>>) target(%dma_start3A_55 : memref<128x64xf32, #tpu.memory_space<vmem>>) offsets(%dma_start3A_58 : memref<128xi32, #tpu.memory_space<vmem>>) semaphore(%arg7 : memref<!tpu.dma_semaphore, #tpu.memory_space<semaphore_mem>>)
    %dma_start3A_62 = arith.constant 6 : i32
    %dma_start3A_63 = arith.constant 768 : i32
    %dma_start3A_64 = arith.constant 0 : i32
    %dma_start3A_65 = tpu.memref_slice %arg6[%dma_start3A_63, %dma_start3A_64] : memref<1664x64xf32, #tpu.memory_space<vmem>> -> memref<128x64xf32, #tpu.memory_space<vmem>>
    %dma_start3A_66 = arith.constant 0 : i32
    %dma_start3A_67 = tpu.memref_slice %arg5[%dma_start3A_62, %dma_start3A_66] : memref<26x128xi32, #tpu.memory_space<vmem>> -> memref<1x128xi32, #tpu.memory_space<vmem>>
    %dma_start3A_68 = tpu.memref_squeeze %dma_start3A_67 : memref<1x128xi32, #tpu.memory_space<vmem>> -> memref<128xi32, #tpu.memory_space<vmem>>
    %dma_start3A_69 = arith.constant 0 : i32
    %dma_start3A_70 = arith.constant 0 : i32
    %dma_start3A_71 = tpu.memref_slice %arg2[%dma_start3A_69, %dma_start3A_70] : memref<26000x64xf32, #tpu.memory_space<hbm>> -> memref<26000x64xf32, #tpu.memory_space<hbm>>
    tpu.enqueue_indirect_dma source(%dma_start3A_71 : memref<26000x64xf32, #tpu.memory_space<hbm>>) target(%dma_start3A_65 : memref<128x64xf32, #tpu.memory_space<vmem>>) offsets(%dma_start3A_68 : memref<128xi32, #tpu.memory_space<vmem>>) semaphore(%arg7 : memref<!tpu.dma_semaphore, #tpu.memory_space<semaphore_mem>>)
    %dma_start3A_72 = arith.constant 7 : i32
    %dma_start3A_73 = arith.constant 896 : i32
    %dma_start3A_74 = arith.constant 0 : i32
    %dma_start3A_75 = tpu.memref_slice %arg6[%dma_start3A_73, %dma_start3A_74] : memref<1664x64xf32, #tpu.memory_space<vmem>> -> memref<128x64xf32, #tpu.memory_space<vmem>>
    %dma_start3A_76 = arith.constant 0 : i32
    %dma_start3A_77 = tpu.memref_slice %arg5[%dma_start3A_72, %dma_start3A_76] : memref<26x128xi32, #tpu.memory_space<vmem>> -> memref<1x128xi32, #tpu.memory_space<vmem>>
    %dma_start3A_78 = tpu.memref_squeeze %dma_start3A_77 : memref<1x128xi32, #tpu.memory_space<vmem>> -> memref<128xi32, #tpu.memory_space<vmem>>
    %dma_start3A_79 = arith.constant 0 : i32
    %dma_start3A_80 = arith.constant 0 : i32
    %dma_start3A_81 = tpu.memref_slice %arg2[%dma_start3A_79, %dma_start3A_80] : memref<26000x64xf32, #tpu.memory_space<hbm>> -> memref<26000x64xf32, #tpu.memory_space<hbm>>
    tpu.enqueue_indirect_dma source(%dma_start3A_81 : memref<26000x64xf32, #tpu.memory_space<hbm>>) target(%dma_start3A_75 : memref<128x64xf32, #tpu.memory_space<vmem>>) offsets(%dma_start3A_78 : memref<128xi32, #tpu.memory_space<vmem>>) semaphore(%arg7 : memref<!tpu.dma_semaphore, #tpu.memory_space<semaphore_mem>>)
    %dma_start3A_82 = arith.constant 8 : i32
    %dma_start3A_83 = arith.constant 1024 : i32
    %dma_start3A_84 = arith.constant 0 : i32
    %dma_start3A_85 = tpu.memref_slice %arg6[%dma_start3A_83, %dma_start3A_84] : memref<1664x64xf32, #tpu.memory_space<vmem>> -> memref<128x64xf32, #tpu.memory_space<vmem>>
    %dma_start3A_86 = arith.constant 0 : i32
    %dma_start3A_87 = tpu.memref_slice %arg5[%dma_start3A_82, %dma_start3A_86] : memref<26x128xi32, #tpu.memory_space<vmem>> -> memref<1x128xi32, #tpu.memory_space<vmem>>
    %dma_start3A_88 = tpu.memref_squeeze %dma_start3A_87 : memref<1x128xi32, #tpu.memory_space<vmem>> -> memref<128xi32, #tpu.memory_space<vmem>>
    %dma_start3A_89 = arith.constant 0 : i32
    %dma_start3A_90 = arith.constant 0 : i32
    %dma_start3A_91 = tpu.memref_slice %arg2[%dma_start3A_89, %dma_start3A_90] : memref<26000x64xf32, #tpu.memory_space<hbm>> -> memref<26000x64xf32, #tpu.memory_space<hbm>>
    tpu.enqueue_indirect_dma source(%dma_start3A_91 : memref<26000x64xf32, #tpu.memory_space<hbm>>) target(%dma_start3A_85 : memref<128x64xf32, #tpu.memory_space<vmem>>) offsets(%dma_start3A_88 : memref<128xi32, #tpu.memory_space<vmem>>) semaphore(%arg7 : memref<!tpu.dma_semaphore, #tpu.memory_space<semaphore_mem>>)
    %dma_start3A_92 = arith.constant 9 : i32
    %dma_start3A_93 = arith.constant 1152 : i32
    %dma_start3A_94 = arith.constant 0 : i32
    %dma_start3A_95 = tpu.memref_slice %arg6[%dma_start3A_93, %dma_start3A_94] : memref<1664x64xf32, #tpu.memory_space<vmem>> -> memref<128x64xf32, #tpu.memory_space<vmem>>
    %dma_start3A_96 = arith.constant 0 : i32
    %dma_start3A_97 = tpu.memref_slice %arg5[%dma_start3A_92, %dma_start3A_96] : memref<26x128xi32, #tpu.memory_space<vmem>> -> memref<1x128xi32, #tpu.memory_space<vmem>>
    %dma_start3A_98 = tpu.memref_squeeze %dma_start3A_97 : memref<1x128xi32, #tpu.memory_space<vmem>> -> memref<128xi32, #tpu.memory_space<vmem>>
    %dma_start3A_99 = arith.constant 0 : i32
    %dma_start3A_100 = arith.constant 0 : i32
    %dma_start3A_101 = tpu.memref_slice %arg2[%dma_start3A_99, %dma_start3A_100] : memref<26000x64xf32, #tpu.memory_space<hbm>> -> memref<26000x64xf32, #tpu.memory_space<hbm>>
    tpu.enqueue_indirect_dma source(%dma_start3A_101 : memref<26000x64xf32, #tpu.memory_space<hbm>>) target(%dma_start3A_95 : memref<128x64xf32, #tpu.memory_space<vmem>>) offsets(%dma_start3A_98 : memref<128xi32, #tpu.memory_space<vmem>>) semaphore(%arg7 : memref<!tpu.dma_semaphore, #tpu.memory_space<semaphore_mem>>)
    %dma_start3A_102 = arith.constant 10 : i32
    %dma_start3A_103 = arith.constant 1280 : i32
    %dma_start3A_104 = arith.constant 0 : i32
    %dma_start3A_105 = tpu.memref_slice %arg6[%dma_start3A_103, %dma_start3A_104] : memref<1664x64xf32, #tpu.memory_space<vmem>> -> memref<128x64xf32, #tpu.memory_space<vmem>>
    %dma_start3A_106 = arith.constant 0 : i32
    %dma_start3A_107 = tpu.memref_slice %arg5[%dma_start3A_102, %dma_start3A_106] : memref<26x128xi32, #tpu.memory_space<vmem>> -> memref<1x128xi32, #tpu.memory_space<vmem>>
    %dma_start3A_108 = tpu.memref_squeeze %dma_start3A_107 : memref<1x128xi32, #tpu.memory_space<vmem>> -> memref<128xi32, #tpu.memory_space<vmem>>
    %dma_start3A_109 = arith.constant 0 : i32
    %dma_start3A_110 = arith.constant 0 : i32
    %dma_start3A_111 = tpu.memref_slice %arg2[%dma_start3A_109, %dma_start3A_110] : memref<26000x64xf32, #tpu.memory_space<hbm>> -> memref<26000x64xf32, #tpu.memory_space<hbm>>
    tpu.enqueue_indirect_dma source(%dma_start3A_111 : memref<26000x64xf32, #tpu.memory_space<hbm>>) target(%dma_start3A_105 : memref<128x64xf32, #tpu.memory_space<vmem>>) offsets(%dma_start3A_108 : memref<128xi32, #tpu.memory_space<vmem>>) semaphore(%arg7 : memref<!tpu.dma_semaphore, #tpu.memory_space<semaphore_mem>>)
    %dma_start3A_112 = arith.constant 11 : i32
    %dma_start3A_113 = arith.constant 1408 : i32
    %dma_start3A_114 = arith.constant 0 : i32
    %dma_start3A_115 = tpu.memref_slice %arg6[%dma_start3A_113, %dma_start3A_114] : memref<1664x64xf32, #tpu.memory_space<vmem>> -> memref<128x64xf32, #tpu.memory_space<vmem>>
    %dma_start3A_116 = arith.constant 0 : i32
    %dma_start3A_117 = tpu.memref_slice %arg5[%dma_start3A_112, %dma_start3A_116] : memref<26x128xi32, #tpu.memory_space<vmem>> -> memref<1x128xi32, #tpu.memory_space<vmem>>
    %dma_start3A_118 = tpu.memref_squeeze %dma_start3A_117 : memref<1x128xi32, #tpu.memory_space<vmem>> -> memref<128xi32, #tpu.memory_space<vmem>>
    %dma_start3A_119 = arith.constant 0 : i32
    %dma_start3A_120 = arith.constant 0 : i32
    %dma_start3A_121 = tpu.memref_slice %arg2[%dma_start3A_119, %dma_start3A_120] : memref<26000x64xf32, #tpu.memory_space<hbm>> -> memref<26000x64xf32, #tpu.memory_space<hbm>>
    tpu.enqueue_indirect_dma source(%dma_start3A_121 : memref<26000x64xf32, #tpu.memory_space<hbm>>) target(%dma_start3A_115 : memref<128x64xf32, #tpu.memory_space<vmem>>) offsets(%dma_start3A_118 : memref<128xi32, #tpu.memory_space<vmem>>) semaphore(%arg7 : memref<!tpu.dma_semaphore, #tpu.memory_space<semaphore_mem>>)
    %dma_start3A_122 = arith.constant 12 : i32
    %dma_start3A_123 = arith.constant 1536 : i32
    %dma_start3A_124 = arith.constant 0 : i32
    %dma_start3A_125 = tpu.memref_slice %arg6[%dma_start3A_123, %dma_start3A_124] : memref<1664x64xf32, #tpu.memory_space<vmem>> -> memref<128x64xf32, #tpu.memory_space<vmem>>
    %dma_start3A_126 = arith.constant 0 : i32
    %dma_start3A_127 = tpu.memref_slice %arg5[%dma_start3A_122, %dma_start3A_126] : memref<26x128xi32, #tpu.memory_space<vmem>> -> memref<1x128xi32, #tpu.memory_space<vmem>>
    %dma_start3A_128 = tpu.memref_squeeze %dma_start3A_127 : memref<1x128xi32, #tpu.memory_space<vmem>> -> memref<128xi32, #tpu.memory_space<vmem>>
    %dma_start3A_129 = arith.constant 0 : i32
    %dma_start3A_130 = arith.constant 0 : i32
    %dma_start3A_131 = tpu.memref_slice %arg2[%dma_start3A_129, %dma_start3A_130] : memref<26000x64xf32, #tpu.memory_space<hbm>> -> memref<26000x64xf32, #tpu.memory_space<hbm>>
    tpu.enqueue_indirect_dma source(%dma_start3A_131 : memref<26000x64xf32, #tpu.memory_space<hbm>>) target(%dma_start3A_125 : memref<128x64xf32, #tpu.memory_space<vmem>>) offsets(%dma_start3A_128 : memref<128xi32, #tpu.memory_space<vmem>>) semaphore(%arg7 : memref<!tpu.dma_semaphore, #tpu.memory_space<semaphore_mem>>)
    %dma_wait3A = arith.constant 0 : i32
    %dma_wait3A_132 = arith.constant 0 : i32
    %dma_wait3A_133 = arith.constant 0 : i32
    %dma_wait3A_134 = tpu.memref_slice %arg6[%dma_wait3A_132, %dma_wait3A_133] : memref<1664x64xf32, #tpu.memory_space<vmem>> -> memref<128x64xf32, #tpu.memory_space<vmem>>
    %dma_wait3A_135 = arith.constant 0 : i32
    %dma_wait3A_136 = tpu.memref_slice %arg5[%dma_wait3A, %dma_wait3A_135] : memref<26x128xi32, #tpu.memory_space<vmem>> -> memref<1x128xi32, #tpu.memory_space<vmem>>
    %dma_wait3A_137 = tpu.memref_squeeze %dma_wait3A_136 : memref<1x128xi32, #tpu.memory_space<vmem>> -> memref<128xi32, #tpu.memory_space<vmem>>
    %dma_wait3A_138 = arith.constant 0 : i32
    %dma_wait3A_139 = arith.constant 0 : i32
    %dma_wait3A_140 = tpu.memref_slice %arg2[%dma_wait3A_138, %dma_wait3A_139] : memref<26000x64xf32, #tpu.memory_space<hbm>> -> memref<26000x64xf32, #tpu.memory_space<hbm>>
    tpu.wait_indirect_dma semaphore(%arg7 : memref<!tpu.dma_semaphore, #tpu.memory_space<semaphore_mem>>) src(%dma_wait3A_140 : memref<26000x64xf32, #tpu.memory_space<hbm>>) dst(%dma_wait3A_134 : memref<128x64xf32, #tpu.memory_space<vmem>>)
    %dma_wait3A_141 = arith.constant 1 : i32
    %dma_wait3A_142 = arith.constant 128 : i32
    %dma_wait3A_143 = arith.constant 0 : i32
    %dma_wait3A_144 = tpu.memref_slice %arg6[%dma_wait3A_142, %dma_wait3A_143] : memref<1664x64xf32, #tpu.memory_space<vmem>> -> memref<128x64xf32, #tpu.memory_space<vmem>>
    %dma_wait3A_145 = arith.constant 0 : i32
    %dma_wait3A_146 = tpu.memref_slice %arg5[%dma_wait3A_141, %dma_wait3A_145] : memref<26x128xi32, #tpu.memory_space<vmem>> -> memref<1x128xi32, #tpu.memory_space<vmem>>
    %dma_wait3A_147 = tpu.memref_squeeze %dma_wait3A_146 : memref<1x128xi32, #tpu.memory_space<vmem>> -> memref<128xi32, #tpu.memory_space<vmem>>
    %dma_wait3A_148 = arith.constant 0 : i32
    %dma_wait3A_149 = arith.constant 0 : i32
    %dma_wait3A_150 = tpu.memref_slice %arg2[%dma_wait3A_148, %dma_wait3A_149] : memref<26000x64xf32, #tpu.memory_space<hbm>> -> memref<26000x64xf32, #tpu.memory_space<hbm>>
    tpu.wait_indirect_dma semaphore(%arg7 : memref<!tpu.dma_semaphore, #tpu.memory_space<semaphore_mem>>) src(%dma_wait3A_150 : memref<26000x64xf32, #tpu.memory_space<hbm>>) dst(%dma_wait3A_144 : memref<128x64xf32, #tpu.memory_space<vmem>>)
    %dma_wait3A_151 = arith.constant 2 : i32
    %dma_wait3A_152 = arith.constant 256 : i32
    %dma_wait3A_153 = arith.constant 0 : i32
    %dma_wait3A_154 = tpu.memref_slice %arg6[%dma_wait3A_152, %dma_wait3A_153] : memref<1664x64xf32, #tpu.memory_space<vmem>> -> memref<128x64xf32, #tpu.memory_space<vmem>>
    %dma_wait3A_155 = arith.constant 0 : i32
    %dma_wait3A_156 = tpu.memref_slice %arg5[%dma_wait3A_151, %dma_wait3A_155] : memref<26x128xi32, #tpu.memory_space<vmem>> -> memref<1x128xi32, #tpu.memory_space<vmem>>
    %dma_wait3A_157 = tpu.memref_squeeze %dma_wait3A_156 : memref<1x128xi32, #tpu.memory_space<vmem>> -> memref<128xi32, #tpu.memory_space<vmem>>
    %dma_wait3A_158 = arith.constant 0 : i32
    %dma_wait3A_159 = arith.constant 0 : i32
    %dma_wait3A_160 = tpu.memref_slice %arg2[%dma_wait3A_158, %dma_wait3A_159] : memref<26000x64xf32, #tpu.memory_space<hbm>> -> memref<26000x64xf32, #tpu.memory_space<hbm>>
    tpu.wait_indirect_dma semaphore(%arg7 : memref<!tpu.dma_semaphore, #tpu.memory_space<semaphore_mem>>) src(%dma_wait3A_160 : memref<26000x64xf32, #tpu.memory_space<hbm>>) dst(%dma_wait3A_154 : memref<128x64xf32, #tpu.memory_space<vmem>>)
    %dma_wait3A_161 = arith.constant 3 : i32
    %dma_wait3A_162 = arith.constant 384 : i32
    %dma_wait3A_163 = arith.constant 0 : i32
    %dma_wait3A_164 = tpu.memref_slice %arg6[%dma_wait3A_162, %dma_wait3A_163] : memref<1664x64xf32, #tpu.memory_space<vmem>> -> memref<128x64xf32, #tpu.memory_space<vmem>>
    %dma_wait3A_165 = arith.constant 0 : i32
    %dma_wait3A_166 = tpu.memref_slice %arg5[%dma_wait3A_161, %dma_wait3A_165] : memref<26x128xi32, #tpu.memory_space<vmem>> -> memref<1x128xi32, #tpu.memory_space<vmem>>
    %dma_wait3A_167 = tpu.memref_squeeze %dma_wait3A_166 : memref<1x128xi32, #tpu.memory_space<vmem>> -> memref<128xi32, #tpu.memory_space<vmem>>
    %dma_wait3A_168 = arith.constant 0 : i32
    %dma_wait3A_169 = arith.constant 0 : i32
    %dma_wait3A_170 = tpu.memref_slice %arg2[%dma_wait3A_168, %dma_wait3A_169] : memref<26000x64xf32, #tpu.memory_space<hbm>> -> memref<26000x64xf32, #tpu.memory_space<hbm>>
    tpu.wait_indirect_dma semaphore(%arg7 : memref<!tpu.dma_semaphore, #tpu.memory_space<semaphore_mem>>) src(%dma_wait3A_170 : memref<26000x64xf32, #tpu.memory_space<hbm>>) dst(%dma_wait3A_164 : memref<128x64xf32, #tpu.memory_space<vmem>>)
    %dma_wait3A_171 = arith.constant 4 : i32
    %dma_wait3A_172 = arith.constant 512 : i32
    %dma_wait3A_173 = arith.constant 0 : i32
    %dma_wait3A_174 = tpu.memref_slice %arg6[%dma_wait3A_172, %dma_wait3A_173] : memref<1664x64xf32, #tpu.memory_space<vmem>> -> memref<128x64xf32, #tpu.memory_space<vmem>>
    %dma_wait3A_175 = arith.constant 0 : i32
    %dma_wait3A_176 = tpu.memref_slice %arg5[%dma_wait3A_171, %dma_wait3A_175] : memref<26x128xi32, #tpu.memory_space<vmem>> -> memref<1x128xi32, #tpu.memory_space<vmem>>
    %dma_wait3A_177 = tpu.memref_squeeze %dma_wait3A_176 : memref<1x128xi32, #tpu.memory_space<vmem>> -> memref<128xi32, #tpu.memory_space<vmem>>
    %dma_wait3A_178 = arith.constant 0 : i32
    %dma_wait3A_179 = arith.constant 0 : i32
    %dma_wait3A_180 = tpu.memref_slice %arg2[%dma_wait3A_178, %dma_wait3A_179] : memref<26000x64xf32, #tpu.memory_space<hbm>> -> memref<26000x64xf32, #tpu.memory_space<hbm>>
    tpu.wait_indirect_dma semaphore(%arg7 : memref<!tpu.dma_semaphore, #tpu.memory_space<semaphore_mem>>) src(%dma_wait3A_180 : memref<26000x64xf32, #tpu.memory_space<hbm>>) dst(%dma_wait3A_174 : memref<128x64xf32, #tpu.memory_space<vmem>>)
    %dma_wait3A_181 = arith.constant 5 : i32
    %dma_wait3A_182 = arith.constant 640 : i32
    %dma_wait3A_183 = arith.constant 0 : i32
    %dma_wait3A_184 = tpu.memref_slice %arg6[%dma_wait3A_182, %dma_wait3A_183] : memref<1664x64xf32, #tpu.memory_space<vmem>> -> memref<128x64xf32, #tpu.memory_space<vmem>>
    %dma_wait3A_185 = arith.constant 0 : i32
    %dma_wait3A_186 = tpu.memref_slice %arg5[%dma_wait3A_181, %dma_wait3A_185] : memref<26x128xi32, #tpu.memory_space<vmem>> -> memref<1x128xi32, #tpu.memory_space<vmem>>
    %dma_wait3A_187 = tpu.memref_squeeze %dma_wait3A_186 : memref<1x128xi32, #tpu.memory_space<vmem>> -> memref<128xi32, #tpu.memory_space<vmem>>
    %dma_wait3A_188 = arith.constant 0 : i32
    %dma_wait3A_189 = arith.constant 0 : i32
    %dma_wait3A_190 = tpu.memref_slice %arg2[%dma_wait3A_188, %dma_wait3A_189] : memref<26000x64xf32, #tpu.memory_space<hbm>> -> memref<26000x64xf32, #tpu.memory_space<hbm>>
    tpu.wait_indirect_dma semaphore(%arg7 : memref<!tpu.dma_semaphore, #tpu.memory_space<semaphore_mem>>) src(%dma_wait3A_190 : memref<26000x64xf32, #tpu.memory_space<hbm>>) dst(%dma_wait3A_184 : memref<128x64xf32, #tpu.memory_space<vmem>>)
    %dma_wait3A_191 = arith.constant 6 : i32
    %dma_wait3A_192 = arith.constant 768 : i32
    %dma_wait3A_193 = arith.constant 0 : i32
    %dma_wait3A_194 = tpu.memref_slice %arg6[%dma_wait3A_192, %dma_wait3A_193] : memref<1664x64xf32, #tpu.memory_space<vmem>> -> memref<128x64xf32, #tpu.memory_space<vmem>>
    %dma_wait3A_195 = arith.constant 0 : i32
    %dma_wait3A_196 = tpu.memref_slice %arg5[%dma_wait3A_191, %dma_wait3A_195] : memref<26x128xi32, #tpu.memory_space<vmem>> -> memref<1x128xi32, #tpu.memory_space<vmem>>
    %dma_wait3A_197 = tpu.memref_squeeze %dma_wait3A_196 : memref<1x128xi32, #tpu.memory_space<vmem>> -> memref<128xi32, #tpu.memory_space<vmem>>
    %dma_wait3A_198 = arith.constant 0 : i32
    %dma_wait3A_199 = arith.constant 0 : i32
    %dma_wait3A_200 = tpu.memref_slice %arg2[%dma_wait3A_198, %dma_wait3A_199] : memref<26000x64xf32, #tpu.memory_space<hbm>> -> memref<26000x64xf32, #tpu.memory_space<hbm>>
    tpu.wait_indirect_dma semaphore(%arg7 : memref<!tpu.dma_semaphore, #tpu.memory_space<semaphore_mem>>) src(%dma_wait3A_200 : memref<26000x64xf32, #tpu.memory_space<hbm>>) dst(%dma_wait3A_194 : memref<128x64xf32, #tpu.memory_space<vmem>>)
    %dma_wait3A_201 = arith.constant 7 : i32
    %dma_wait3A_202 = arith.constant 896 : i32
    %dma_wait3A_203 = arith.constant 0 : i32
    %dma_wait3A_204 = tpu.memref_slice %arg6[%dma_wait3A_202, %dma_wait3A_203] : memref<1664x64xf32, #tpu.memory_space<vmem>> -> memref<128x64xf32, #tpu.memory_space<vmem>>
    %dma_wait3A_205 = arith.constant 0 : i32
    %dma_wait3A_206 = tpu.memref_slice %arg5[%dma_wait3A_201, %dma_wait3A_205] : memref<26x128xi32, #tpu.memory_space<vmem>> -> memref<1x128xi32, #tpu.memory_space<vmem>>
    %dma_wait3A_207 = tpu.memref_squeeze %dma_wait3A_206 : memref<1x128xi32, #tpu.memory_space<vmem>> -> memref<128xi32, #tpu.memory_space<vmem>>
    %dma_wait3A_208 = arith.constant 0 : i32
    %dma_wait3A_209 = arith.constant 0 : i32
    %dma_wait3A_210 = tpu.memref_slice %arg2[%dma_wait3A_208, %dma_wait3A_209] : memref<26000x64xf32, #tpu.memory_space<hbm>> -> memref<26000x64xf32, #tpu.memory_space<hbm>>
    tpu.wait_indirect_dma semaphore(%arg7 : memref<!tpu.dma_semaphore, #tpu.memory_space<semaphore_mem>>) src(%dma_wait3A_210 : memref<26000x64xf32, #tpu.memory_space<hbm>>) dst(%dma_wait3A_204 : memref<128x64xf32, #tpu.memory_space<vmem>>)
    %dma_wait3A_211 = arith.constant 8 : i32
    %dma_wait3A_212 = arith.constant 1024 : i32
    %dma_wait3A_213 = arith.constant 0 : i32
    %dma_wait3A_214 = tpu.memref_slice %arg6[%dma_wait3A_212, %dma_wait3A_213] : memref<1664x64xf32, #tpu.memory_space<vmem>> -> memref<128x64xf32, #tpu.memory_space<vmem>>
    %dma_wait3A_215 = arith.constant 0 : i32
    %dma_wait3A_216 = tpu.memref_slice %arg5[%dma_wait3A_211, %dma_wait3A_215] : memref<26x128xi32, #tpu.memory_space<vmem>> -> memref<1x128xi32, #tpu.memory_space<vmem>>
    %dma_wait3A_217 = tpu.memref_squeeze %dma_wait3A_216 : memref<1x128xi32, #tpu.memory_space<vmem>> -> memref<128xi32, #tpu.memory_space<vmem>>
    %dma_wait3A_218 = arith.constant 0 : i32
    %dma_wait3A_219 = arith.constant 0 : i32
    %dma_wait3A_220 = tpu.memref_slice %arg2[%dma_wait3A_218, %dma_wait3A_219] : memref<26000x64xf32, #tpu.memory_space<hbm>> -> memref<26000x64xf32, #tpu.memory_space<hbm>>
    tpu.wait_indirect_dma semaphore(%arg7 : memref<!tpu.dma_semaphore, #tpu.memory_space<semaphore_mem>>) src(%dma_wait3A_220 : memref<26000x64xf32, #tpu.memory_space<hbm>>) dst(%dma_wait3A_214 : memref<128x64xf32, #tpu.memory_space<vmem>>)
    %dma_wait3A_221 = arith.constant 9 : i32
    %dma_wait3A_222 = arith.constant 1152 : i32
    %dma_wait3A_223 = arith.constant 0 : i32
    %dma_wait3A_224 = tpu.memref_slice %arg6[%dma_wait3A_222, %dma_wait3A_223] : memref<1664x64xf32, #tpu.memory_space<vmem>> -> memref<128x64xf32, #tpu.memory_space<vmem>>
    %dma_wait3A_225 = arith.constant 0 : i32
    %dma_wait3A_226 = tpu.memref_slice %arg5[%dma_wait3A_221, %dma_wait3A_225] : memref<26x128xi32, #tpu.memory_space<vmem>> -> memref<1x128xi32, #tpu.memory_space<vmem>>
    %dma_wait3A_227 = tpu.memref_squeeze %dma_wait3A_226 : memref<1x128xi32, #tpu.memory_space<vmem>> -> memref<128xi32, #tpu.memory_space<vmem>>
    %dma_wait3A_228 = arith.constant 0 : i32
    %dma_wait3A_229 = arith.constant 0 : i32
    %dma_wait3A_230 = tpu.memref_slice %arg2[%dma_wait3A_228, %dma_wait3A_229] : memref<26000x64xf32, #tpu.memory_space<hbm>> -> memref<26000x64xf32, #tpu.memory_space<hbm>>
    tpu.wait_indirect_dma semaphore(%arg7 : memref<!tpu.dma_semaphore, #tpu.memory_space<semaphore_mem>>) src(%dma_wait3A_230 : memref<26000x64xf32, #tpu.memory_space<hbm>>) dst(%dma_wait3A_224 : memref<128x64xf32, #tpu.memory_space<vmem>>)
    %dma_wait3A_231 = arith.constant 10 : i32
    %dma_wait3A_232 = arith.constant 1280 : i32
    %dma_wait3A_233 = arith.constant 0 : i32
    %dma_wait3A_234 = tpu.memref_slice %arg6[%dma_wait3A_232, %dma_wait3A_233] : memref<1664x64xf32, #tpu.memory_space<vmem>> -> memref<128x64xf32, #tpu.memory_space<vmem>>
    %dma_wait3A_235 = arith.constant 0 : i32
    %dma_wait3A_236 = tpu.memref_slice %arg5[%dma_wait3A_231, %dma_wait3A_235] : memref<26x128xi32, #tpu.memory_space<vmem>> -> memref<1x128xi32, #tpu.memory_space<vmem>>
    %dma_wait3A_237 = tpu.memref_squeeze %dma_wait3A_236 : memref<1x128xi32, #tpu.memory_space<vmem>> -> memref<128xi32, #tpu.memory_space<vmem>>
    %dma_wait3A_238 = arith.constant 0 : i32
    %dma_wait3A_239 = arith.constant 0 : i32
    %dma_wait3A_240 = tpu.memref_slice %arg2[%dma_wait3A_238, %dma_wait3A_239] : memref<26000x64xf32, #tpu.memory_space<hbm>> -> memref<26000x64xf32, #tpu.memory_space<hbm>>
    tpu.wait_indirect_dma semaphore(%arg7 : memref<!tpu.dma_semaphore, #tpu.memory_space<semaphore_mem>>) src(%dma_wait3A_240 : memref<26000x64xf32, #tpu.memory_space<hbm>>) dst(%dma_wait3A_234 : memref<128x64xf32, #tpu.memory_space<vmem>>)
    %dma_wait3A_241 = arith.constant 11 : i32
    %dma_wait3A_242 = arith.constant 1408 : i32
    %dma_wait3A_243 = arith.constant 0 : i32
    %dma_wait3A_244 = tpu.memref_slice %arg6[%dma_wait3A_242, %dma_wait3A_243] : memref<1664x64xf32, #tpu.memory_space<vmem>> -> memref<128x64xf32, #tpu.memory_space<vmem>>
    %dma_wait3A_245 = arith.constant 0 : i32
    %dma_wait3A_246 = tpu.memref_slice %arg5[%dma_wait3A_241, %dma_wait3A_245] : memref<26x128xi32, #tpu.memory_space<vmem>> -> memref<1x128xi32, #tpu.memory_space<vmem>>
    %dma_wait3A_247 = tpu.memref_squeeze %dma_wait3A_246 : memref<1x128xi32, #tpu.memory_space<vmem>> -> memref<128xi32, #tpu.memory_space<vmem>>
    %dma_wait3A_248 = arith.constant 0 : i32
    %dma_wait3A_249 = arith.constant 0 : i32
    %dma_wait3A_250 = tpu.memref_slice %arg2[%dma_wait3A_248, %dma_wait3A_249] : memref<26000x64xf32, #tpu.memory_space<hbm>> -> memref<26000x64xf32, #tpu.memory_space<hbm>>
    tpu.wait_indirect_dma semaphore(%arg7 : memref<!tpu.dma_semaphore, #tpu.memory_space<semaphore_mem>>) src(%dma_wait3A_250 : memref<26000x64xf32, #tpu.memory_space<hbm>>) dst(%dma_wait3A_244 : memref<128x64xf32, #tpu.memory_space<vmem>>)
    %dma_wait3A_251 = arith.constant 12 : i32
    %dma_wait3A_252 = arith.constant 1536 : i32
    %dma_wait3A_253 = arith.constant 0 : i32
    %dma_wait3A_254 = tpu.memref_slice %arg6[%dma_wait3A_252, %dma_wait3A_253] : memref<1664x64xf32, #tpu.memory_space<vmem>> -> memref<128x64xf32, #tpu.memory_space<vmem>>
    %dma_wait3A_255 = arith.constant 0 : i32
    %dma_wait3A_256 = tpu.memref_slice %arg5[%dma_wait3A_251, %dma_wait3A_255] : memref<26x128xi32, #tpu.memory_space<vmem>> -> memref<1x128xi32, #tpu.memory_space<vmem>>
    %dma_wait3A_257 = tpu.memref_squeeze %dma_wait3A_256 : memref<1x128xi32, #tpu.memory_space<vmem>> -> memref<128xi32, #tpu.memory_space<vmem>>
    %dma_wait3A_258 = arith.constant 0 : i32
    %dma_wait3A_259 = arith.constant 0 : i32
    %dma_wait3A_260 = tpu.memref_slice %arg2[%dma_wait3A_258, %dma_wait3A_259] : memref<26000x64xf32, #tpu.memory_space<hbm>> -> memref<26000x64xf32, #tpu.memory_space<hbm>>
    tpu.wait_indirect_dma semaphore(%arg7 : memref<!tpu.dma_semaphore, #tpu.memory_space<semaphore_mem>>) src(%dma_wait3A_260 : memref<26000x64xf32, #tpu.memory_space<hbm>>) dst(%dma_wait3A_254 : memref<128x64xf32, #tpu.memory_space<vmem>>)
    %add3A_261 = arith.constant 0 : i32
    %add3A_262 = arith.addi %mul3A_2, %add3A_261 : i32
    "tpu.region"() ({
      %run_scoped3A = tpu.sem_alloc : memref<!tpu.dma_semaphore, #tpu.memory_space<semaphore_mem>>
      %dma_start3A_525 = arith.constant 0 : i32
      %dma_start3A_526 = tpu.memref_slice %arg4[%add3A_262, %dma_start3A_525] : memref<106496x64xf32, #tpu.memory_space<hbm>> -> memref<1664x64xf32, #tpu.memory_space<hbm>>
      %dma_start3A_527 = arith.constant 0 : i32
      %dma_start3A_528 = tpu.memref_slice %arg4[%add3A_262, %dma_start3A_527] : memref<106496x64xf32, #tpu.memory_space<hbm>> -> memref<1664x64xf32, #tpu.memory_space<hbm>>
      tpu.enqueue_dma source(%arg6 : memref<1664x64xf32, #tpu.memory_space<vmem>>) target(%dma_start3A_528 : memref<1664x64xf32, #tpu.memory_space<hbm>>) target_semaphore(%run_scoped3A : memref<!tpu.dma_semaphore, #tpu.memory_space<semaphore_mem>>)
      %dma_wait3A_529 = arith.constant 0 : i32
      %dma_wait3A_530 = tpu.memref_slice %arg4[%add3A_262, %dma_wait3A_529] : memref<106496x64xf32, #tpu.memory_space<hbm>> -> memref<1664x64xf32, #tpu.memory_space<hbm>>
      %dma_wait3A_531 = arith.constant 0 : i32
      %dma_wait3A_532 = tpu.memref_slice %arg4[%add3A_262, %dma_wait3A_531] : memref<106496x64xf32, #tpu.memory_space<hbm>> -> memref<1664x64xf32, #tpu.memory_space<hbm>>
      tpu.wait_dma2 semaphore(%run_scoped3A : memref<!tpu.dma_semaphore, #tpu.memory_space<semaphore_mem>>) src(%arg6 : memref<1664x64xf32, #tpu.memory_space<vmem>>) dst(%dma_wait3A_532 : memref<1664x64xf32, #tpu.memory_space<hbm>>)
      tpu.yield
    }) : () -> ()
    %dma_start3A_263 = arith.constant 13 : i32
    %dma_start3A_264 = arith.constant 0 : i32
    %dma_start3A_265 = arith.constant 0 : i32
    %dma_start3A_266 = tpu.memref_slice %arg6[%dma_start3A_264, %dma_start3A_265] : memref<1664x64xf32, #tpu.memory_space<vmem>> -> memref<128x64xf32, #tpu.memory_space<vmem>>
    %dma_start3A_267 = arith.constant 0 : i32
    %dma_start3A_268 = tpu.memref_slice %arg5[%dma_start3A_263, %dma_start3A_267] : memref<26x128xi32, #tpu.memory_space<vmem>> -> memref<1x128xi32, #tpu.memory_space<vmem>>
    %dma_start3A_269 = tpu.memref_squeeze %dma_start3A_268 : memref<1x128xi32, #tpu.memory_space<vmem>> -> memref<128xi32, #tpu.memory_space<vmem>>
    %dma_start3A_270 = arith.constant 0 : i32
    %dma_start3A_271 = arith.constant 0 : i32
    %dma_start3A_272 = tpu.memref_slice %arg2[%dma_start3A_270, %dma_start3A_271] : memref<26000x64xf32, #tpu.memory_space<hbm>> -> memref<26000x64xf32, #tpu.memory_space<hbm>>
    tpu.enqueue_indirect_dma source(%dma_start3A_272 : memref<26000x64xf32, #tpu.memory_space<hbm>>) target(%dma_start3A_266 : memref<128x64xf32, #tpu.memory_space<vmem>>) offsets(%dma_start3A_269 : memref<128xi32, #tpu.memory_space<vmem>>) semaphore(%arg7 : memref<!tpu.dma_semaphore, #tpu.memory_space<semaphore_mem>>)
    %dma_start3A_273 = arith.constant 14 : i32
    %dma_start3A_274 = arith.constant 128 : i32
    %dma_start3A_275 = arith.constant 0 : i32
    %dma_start3A_276 = tpu.memref_slice %arg6[%dma_start3A_274, %dma_start3A_275] : memref<1664x64xf32, #tpu.memory_space<vmem>> -> memref<128x64xf32, #tpu.memory_space<vmem>>
    %dma_start3A_277 = arith.constant 0 : i32
    %dma_start3A_278 = tpu.memref_slice %arg5[%dma_start3A_273, %dma_start3A_277] : memref<26x128xi32, #tpu.memory_space<vmem>> -> memref<1x128xi32, #tpu.memory_space<vmem>>
    %dma_start3A_279 = tpu.memref_squeeze %dma_start3A_278 : memref<1x128xi32, #tpu.memory_space<vmem>> -> memref<128xi32, #tpu.memory_space<vmem>>
    %dma_start3A_280 = arith.constant 0 : i32
    %dma_start3A_281 = arith.constant 0 : i32
    %dma_start3A_282 = tpu.memref_slice %arg2[%dma_start3A_280, %dma_start3A_281] : memref<26000x64xf32, #tpu.memory_space<hbm>> -> memref<26000x64xf32, #tpu.memory_space<hbm>>
    tpu.enqueue_indirect_dma source(%dma_start3A_282 : memref<26000x64xf32, #tpu.memory_space<hbm>>) target(%dma_start3A_276 : memref<128x64xf32, #tpu.memory_space<vmem>>) offsets(%dma_start3A_279 : memref<128xi32, #tpu.memory_space<vmem>>) semaphore(%arg7 : memref<!tpu.dma_semaphore, #tpu.memory_space<semaphore_mem>>)
    %dma_start3A_283 = arith.constant 15 : i32
    %dma_start3A_284 = arith.constant 256 : i32
    %dma_start3A_285 = arith.constant 0 : i32
    %dma_start3A_286 = tpu.memref_slice %arg6[%dma_start3A_284, %dma_start3A_285] : memref<1664x64xf32, #tpu.memory_space<vmem>> -> memref<128x64xf32, #tpu.memory_space<vmem>>
    %dma_start3A_287 = arith.constant 0 : i32
    %dma_start3A_288 = tpu.memref_slice %arg5[%dma_start3A_283, %dma_start3A_287] : memref<26x128xi32, #tpu.memory_space<vmem>> -> memref<1x128xi32, #tpu.memory_space<vmem>>
    %dma_start3A_289 = tpu.memref_squeeze %dma_start3A_288 : memref<1x128xi32, #tpu.memory_space<vmem>> -> memref<128xi32, #tpu.memory_space<vmem>>
    %dma_start3A_290 = arith.constant 0 : i32
    %dma_start3A_291 = arith.constant 0 : i32
    %dma_start3A_292 = tpu.memref_slice %arg2[%dma_start3A_290, %dma_start3A_291] : memref<26000x64xf32, #tpu.memory_space<hbm>> -> memref<26000x64xf32, #tpu.memory_space<hbm>>
    tpu.enqueue_indirect_dma source(%dma_start3A_292 : memref<26000x64xf32, #tpu.memory_space<hbm>>) target(%dma_start3A_286 : memref<128x64xf32, #tpu.memory_space<vmem>>) offsets(%dma_start3A_289 : memref<128xi32, #tpu.memory_space<vmem>>) semaphore(%arg7 : memref<!tpu.dma_semaphore, #tpu.memory_space<semaphore_mem>>)
    %dma_start3A_293 = arith.constant 16 : i32
    %dma_start3A_294 = arith.constant 384 : i32
    %dma_start3A_295 = arith.constant 0 : i32
    %dma_start3A_296 = tpu.memref_slice %arg6[%dma_start3A_294, %dma_start3A_295] : memref<1664x64xf32, #tpu.memory_space<vmem>> -> memref<128x64xf32, #tpu.memory_space<vmem>>
    %dma_start3A_297 = arith.constant 0 : i32
    %dma_start3A_298 = tpu.memref_slice %arg5[%dma_start3A_293, %dma_start3A_297] : memref<26x128xi32, #tpu.memory_space<vmem>> -> memref<1x128xi32, #tpu.memory_space<vmem>>
    %dma_start3A_299 = tpu.memref_squeeze %dma_start3A_298 : memref<1x128xi32, #tpu.memory_space<vmem>> -> memref<128xi32, #tpu.memory_space<vmem>>
    %dma_start3A_300 = arith.constant 0 : i32
    %dma_start3A_301 = arith.constant 0 : i32
    %dma_start3A_302 = tpu.memref_slice %arg2[%dma_start3A_300, %dma_start3A_301] : memref<26000x64xf32, #tpu.memory_space<hbm>> -> memref<26000x64xf32, #tpu.memory_space<hbm>>
    tpu.enqueue_indirect_dma source(%dma_start3A_302 : memref<26000x64xf32, #tpu.memory_space<hbm>>) target(%dma_start3A_296 : memref<128x64xf32, #tpu.memory_space<vmem>>) offsets(%dma_start3A_299 : memref<128xi32, #tpu.memory_space<vmem>>) semaphore(%arg7 : memref<!tpu.dma_semaphore, #tpu.memory_space<semaphore_mem>>)
    %dma_start3A_303 = arith.constant 17 : i32
    %dma_start3A_304 = arith.constant 512 : i32
    %dma_start3A_305 = arith.constant 0 : i32
    %dma_start3A_306 = tpu.memref_slice %arg6[%dma_start3A_304, %dma_start3A_305] : memref<1664x64xf32, #tpu.memory_space<vmem>> -> memref<128x64xf32, #tpu.memory_space<vmem>>
    %dma_start3A_307 = arith.constant 0 : i32
    %dma_start3A_308 = tpu.memref_slice %arg5[%dma_start3A_303, %dma_start3A_307] : memref<26x128xi32, #tpu.memory_space<vmem>> -> memref<1x128xi32, #tpu.memory_space<vmem>>
    %dma_start3A_309 = tpu.memref_squeeze %dma_start3A_308 : memref<1x128xi32, #tpu.memory_space<vmem>> -> memref<128xi32, #tpu.memory_space<vmem>>
    %dma_start3A_310 = arith.constant 0 : i32
    %dma_start3A_311 = arith.constant 0 : i32
    %dma_start3A_312 = tpu.memref_slice %arg2[%dma_start3A_310, %dma_start3A_311] : memref<26000x64xf32, #tpu.memory_space<hbm>> -> memref<26000x64xf32, #tpu.memory_space<hbm>>
    tpu.enqueue_indirect_dma source(%dma_start3A_312 : memref<26000x64xf32, #tpu.memory_space<hbm>>) target(%dma_start3A_306 : memref<128x64xf32, #tpu.memory_space<vmem>>) offsets(%dma_start3A_309 : memref<128xi32, #tpu.memory_space<vmem>>) semaphore(%arg7 : memref<!tpu.dma_semaphore, #tpu.memory_space<semaphore_mem>>)
    %dma_start3A_313 = arith.constant 18 : i32
    %dma_start3A_314 = arith.constant 640 : i32
    %dma_start3A_315 = arith.constant 0 : i32
    %dma_start3A_316 = tpu.memref_slice %arg6[%dma_start3A_314, %dma_start3A_315] : memref<1664x64xf32, #tpu.memory_space<vmem>> -> memref<128x64xf32, #tpu.memory_space<vmem>>
    %dma_start3A_317 = arith.constant 0 : i32
    %dma_start3A_318 = tpu.memref_slice %arg5[%dma_start3A_313, %dma_start3A_317] : memref<26x128xi32, #tpu.memory_space<vmem>> -> memref<1x128xi32, #tpu.memory_space<vmem>>
    %dma_start3A_319 = tpu.memref_squeeze %dma_start3A_318 : memref<1x128xi32, #tpu.memory_space<vmem>> -> memref<128xi32, #tpu.memory_space<vmem>>
    %dma_start3A_320 = arith.constant 0 : i32
    %dma_start3A_321 = arith.constant 0 : i32
    %dma_start3A_322 = tpu.memref_slice %arg2[%dma_start3A_320, %dma_start3A_321] : memref<26000x64xf32, #tpu.memory_space<hbm>> -> memref<26000x64xf32, #tpu.memory_space<hbm>>
    tpu.enqueue_indirect_dma source(%dma_start3A_322 : memref<26000x64xf32, #tpu.memory_space<hbm>>) target(%dma_start3A_316 : memref<128x64xf32, #tpu.memory_space<vmem>>) offsets(%dma_start3A_319 : memref<128xi32, #tpu.memory_space<vmem>>) semaphore(%arg7 : memref<!tpu.dma_semaphore, #tpu.memory_space<semaphore_mem>>)
    %dma_start3A_323 = arith.constant 19 : i32
    %dma_start3A_324 = arith.constant 768 : i32
    %dma_start3A_325 = arith.constant 0 : i32
    %dma_start3A_326 = tpu.memref_slice %arg6[%dma_start3A_324, %dma_start3A_325] : memref<1664x64xf32, #tpu.memory_space<vmem>> -> memref<128x64xf32, #tpu.memory_space<vmem>>
    %dma_start3A_327 = arith.constant 0 : i32
    %dma_start3A_328 = tpu.memref_slice %arg5[%dma_start3A_323, %dma_start3A_327] : memref<26x128xi32, #tpu.memory_space<vmem>> -> memref<1x128xi32, #tpu.memory_space<vmem>>
    %dma_start3A_329 = tpu.memref_squeeze %dma_start3A_328 : memref<1x128xi32, #tpu.memory_space<vmem>> -> memref<128xi32, #tpu.memory_space<vmem>>
    %dma_start3A_330 = arith.constant 0 : i32
    %dma_start3A_331 = arith.constant 0 : i32
    %dma_start3A_332 = tpu.memref_slice %arg2[%dma_start3A_330, %dma_start3A_331] : memref<26000x64xf32, #tpu.memory_space<hbm>> -> memref<26000x64xf32, #tpu.memory_space<hbm>>
    tpu.enqueue_indirect_dma source(%dma_start3A_332 : memref<26000x64xf32, #tpu.memory_space<hbm>>) target(%dma_start3A_326 : memref<128x64xf32, #tpu.memory_space<vmem>>) offsets(%dma_start3A_329 : memref<128xi32, #tpu.memory_space<vmem>>) semaphore(%arg7 : memref<!tpu.dma_semaphore, #tpu.memory_space<semaphore_mem>>)
    %dma_start3A_333 = arith.constant 20 : i32
    %dma_start3A_334 = arith.constant 896 : i32
    %dma_start3A_335 = arith.constant 0 : i32
    %dma_start3A_336 = tpu.memref_slice %arg6[%dma_start3A_334, %dma_start3A_335] : memref<1664x64xf32, #tpu.memory_space<vmem>> -> memref<128x64xf32, #tpu.memory_space<vmem>>
    %dma_start3A_337 = arith.constant 0 : i32
    %dma_start3A_338 = tpu.memref_slice %arg5[%dma_start3A_333, %dma_start3A_337] : memref<26x128xi32, #tpu.memory_space<vmem>> -> memref<1x128xi32, #tpu.memory_space<vmem>>
    %dma_start3A_339 = tpu.memref_squeeze %dma_start3A_338 : memref<1x128xi32, #tpu.memory_space<vmem>> -> memref<128xi32, #tpu.memory_space<vmem>>
    %dma_start3A_340 = arith.constant 0 : i32
    %dma_start3A_341 = arith.constant 0 : i32
    %dma_start3A_342 = tpu.memref_slice %arg2[%dma_start3A_340, %dma_start3A_341] : memref<26000x64xf32, #tpu.memory_space<hbm>> -> memref<26000x64xf32, #tpu.memory_space<hbm>>
    tpu.enqueue_indirect_dma source(%dma_start3A_342 : memref<26000x64xf32, #tpu.memory_space<hbm>>) target(%dma_start3A_336 : memref<128x64xf32, #tpu.memory_space<vmem>>) offsets(%dma_start3A_339 : memref<128xi32, #tpu.memory_space<vmem>>) semaphore(%arg7 : memref<!tpu.dma_semaphore, #tpu.memory_space<semaphore_mem>>)
    %dma_start3A_343 = arith.constant 21 : i32
    %dma_start3A_344 = arith.constant 1024 : i32
    %dma_start3A_345 = arith.constant 0 : i32
    %dma_start3A_346 = tpu.memref_slice %arg6[%dma_start3A_344, %dma_start3A_345] : memref<1664x64xf32, #tpu.memory_space<vmem>> -> memref<128x64xf32, #tpu.memory_space<vmem>>
    %dma_start3A_347 = arith.constant 0 : i32
    %dma_start3A_348 = tpu.memref_slice %arg5[%dma_start3A_343, %dma_start3A_347] : memref<26x128xi32, #tpu.memory_space<vmem>> -> memref<1x128xi32, #tpu.memory_space<vmem>>
    %dma_start3A_349 = tpu.memref_squeeze %dma_start3A_348 : memref<1x128xi32, #tpu.memory_space<vmem>> -> memref<128xi32, #tpu.memory_space<vmem>>
    %dma_start3A_350 = arith.constant 0 : i32
    %dma_start3A_351 = arith.constant 0 : i32
    %dma_start3A_352 = tpu.memref_slice %arg2[%dma_start3A_350, %dma_start3A_351] : memref<26000x64xf32, #tpu.memory_space<hbm>> -> memref<26000x64xf32, #tpu.memory_space<hbm>>
    tpu.enqueue_indirect_dma source(%dma_start3A_352 : memref<26000x64xf32, #tpu.memory_space<hbm>>) target(%dma_start3A_346 : memref<128x64xf32, #tpu.memory_space<vmem>>) offsets(%dma_start3A_349 : memref<128xi32, #tpu.memory_space<vmem>>) semaphore(%arg7 : memref<!tpu.dma_semaphore, #tpu.memory_space<semaphore_mem>>)
    %dma_start3A_353 = arith.constant 22 : i32
    %dma_start3A_354 = arith.constant 1152 : i32
    %dma_start3A_355 = arith.constant 0 : i32
    %dma_start3A_356 = tpu.memref_slice %arg6[%dma_start3A_354, %dma_start3A_355] : memref<1664x64xf32, #tpu.memory_space<vmem>> -> memref<128x64xf32, #tpu.memory_space<vmem>>
    %dma_start3A_357 = arith.constant 0 : i32
    %dma_start3A_358 = tpu.memref_slice %arg5[%dma_start3A_353, %dma_start3A_357] : memref<26x128xi32, #tpu.memory_space<vmem>> -> memref<1x128xi32, #tpu.memory_space<vmem>>
    %dma_start3A_359 = tpu.memref_squeeze %dma_start3A_358 : memref<1x128xi32, #tpu.memory_space<vmem>> -> memref<128xi32, #tpu.memory_space<vmem>>
    %dma_start3A_360 = arith.constant 0 : i32
    %dma_start3A_361 = arith.constant 0 : i32
    %dma_start3A_362 = tpu.memref_slice %arg2[%dma_start3A_360, %dma_start3A_361] : memref<26000x64xf32, #tpu.memory_space<hbm>> -> memref<26000x64xf32, #tpu.memory_space<hbm>>
    tpu.enqueue_indirect_dma source(%dma_start3A_362 : memref<26000x64xf32, #tpu.memory_space<hbm>>) target(%dma_start3A_356 : memref<128x64xf32, #tpu.memory_space<vmem>>) offsets(%dma_start3A_359 : memref<128xi32, #tpu.memory_space<vmem>>) semaphore(%arg7 : memref<!tpu.dma_semaphore, #tpu.memory_space<semaphore_mem>>)
    %dma_start3A_363 = arith.constant 23 : i32
    %dma_start3A_364 = arith.constant 1280 : i32
    %dma_start3A_365 = arith.constant 0 : i32
    %dma_start3A_366 = tpu.memref_slice %arg6[%dma_start3A_364, %dma_start3A_365] : memref<1664x64xf32, #tpu.memory_space<vmem>> -> memref<128x64xf32, #tpu.memory_space<vmem>>
    %dma_start3A_367 = arith.constant 0 : i32
    %dma_start3A_368 = tpu.memref_slice %arg5[%dma_start3A_363, %dma_start3A_367] : memref<26x128xi32, #tpu.memory_space<vmem>> -> memref<1x128xi32, #tpu.memory_space<vmem>>
    %dma_start3A_369 = tpu.memref_squeeze %dma_start3A_368 : memref<1x128xi32, #tpu.memory_space<vmem>> -> memref<128xi32, #tpu.memory_space<vmem>>
    %dma_start3A_370 = arith.constant 0 : i32
    %dma_start3A_371 = arith.constant 0 : i32
    %dma_start3A_372 = tpu.memref_slice %arg2[%dma_start3A_370, %dma_start3A_371] : memref<26000x64xf32, #tpu.memory_space<hbm>> -> memref<26000x64xf32, #tpu.memory_space<hbm>>
    tpu.enqueue_indirect_dma source(%dma_start3A_372 : memref<26000x64xf32, #tpu.memory_space<hbm>>) target(%dma_start3A_366 : memref<128x64xf32, #tpu.memory_space<vmem>>) offsets(%dma_start3A_369 : memref<128xi32, #tpu.memory_space<vmem>>) semaphore(%arg7 : memref<!tpu.dma_semaphore, #tpu.memory_space<semaphore_mem>>)
    %dma_start3A_373 = arith.constant 24 : i32
    %dma_start3A_374 = arith.constant 1408 : i32
    %dma_start3A_375 = arith.constant 0 : i32
    %dma_start3A_376 = tpu.memref_slice %arg6[%dma_start3A_374, %dma_start3A_375] : memref<1664x64xf32, #tpu.memory_space<vmem>> -> memref<128x64xf32, #tpu.memory_space<vmem>>
    %dma_start3A_377 = arith.constant 0 : i32
    %dma_start3A_378 = tpu.memref_slice %arg5[%dma_start3A_373, %dma_start3A_377] : memref<26x128xi32, #tpu.memory_space<vmem>> -> memref<1x128xi32, #tpu.memory_space<vmem>>
    %dma_start3A_379 = tpu.memref_squeeze %dma_start3A_378 : memref<1x128xi32, #tpu.memory_space<vmem>> -> memref<128xi32, #tpu.memory_space<vmem>>
    %dma_start3A_380 = arith.constant 0 : i32
    %dma_start3A_381 = arith.constant 0 : i32
    %dma_start3A_382 = tpu.memref_slice %arg2[%dma_start3A_380, %dma_start3A_381] : memref<26000x64xf32, #tpu.memory_space<hbm>> -> memref<26000x64xf32, #tpu.memory_space<hbm>>
    tpu.enqueue_indirect_dma source(%dma_start3A_382 : memref<26000x64xf32, #tpu.memory_space<hbm>>) target(%dma_start3A_376 : memref<128x64xf32, #tpu.memory_space<vmem>>) offsets(%dma_start3A_379 : memref<128xi32, #tpu.memory_space<vmem>>) semaphore(%arg7 : memref<!tpu.dma_semaphore, #tpu.memory_space<semaphore_mem>>)
    %dma_start3A_383 = arith.constant 25 : i32
    %dma_start3A_384 = arith.constant 1536 : i32
    %dma_start3A_385 = arith.constant 0 : i32
    %dma_start3A_386 = tpu.memref_slice %arg6[%dma_start3A_384, %dma_start3A_385] : memref<1664x64xf32, #tpu.memory_space<vmem>> -> memref<128x64xf32, #tpu.memory_space<vmem>>
    %dma_start3A_387 = arith.constant 0 : i32
    %dma_start3A_388 = tpu.memref_slice %arg5[%dma_start3A_383, %dma_start3A_387] : memref<26x128xi32, #tpu.memory_space<vmem>> -> memref<1x128xi32, #tpu.memory_space<vmem>>
    %dma_start3A_389 = tpu.memref_squeeze %dma_start3A_388 : memref<1x128xi32, #tpu.memory_space<vmem>> -> memref<128xi32, #tpu.memory_space<vmem>>
    %dma_start3A_390 = arith.constant 0 : i32
    %dma_start3A_391 = arith.constant 0 : i32
    %dma_start3A_392 = tpu.memref_slice %arg2[%dma_start3A_390, %dma_start3A_391] : memref<26000x64xf32, #tpu.memory_space<hbm>> -> memref<26000x64xf32, #tpu.memory_space<hbm>>
    tpu.enqueue_indirect_dma source(%dma_start3A_392 : memref<26000x64xf32, #tpu.memory_space<hbm>>) target(%dma_start3A_386 : memref<128x64xf32, #tpu.memory_space<vmem>>) offsets(%dma_start3A_389 : memref<128xi32, #tpu.memory_space<vmem>>) semaphore(%arg7 : memref<!tpu.dma_semaphore, #tpu.memory_space<semaphore_mem>>)
    %dma_wait3A_393 = arith.constant 13 : i32
    %dma_wait3A_394 = arith.constant 0 : i32
    %dma_wait3A_395 = arith.constant 0 : i32
    %dma_wait3A_396 = tpu.memref_slice %arg6[%dma_wait3A_394, %dma_wait3A_395] : memref<1664x64xf32, #tpu.memory_space<vmem>> -> memref<128x64xf32, #tpu.memory_space<vmem>>
    %dma_wait3A_397 = arith.constant 0 : i32
    %dma_wait3A_398 = tpu.memref_slice %arg5[%dma_wait3A_393, %dma_wait3A_397] : memref<26x128xi32, #tpu.memory_space<vmem>> -> memref<1x128xi32, #tpu.memory_space<vmem>>
    %dma_wait3A_399 = tpu.memref_squeeze %dma_wait3A_398 : memref<1x128xi32, #tpu.memory_space<vmem>> -> memref<128xi32, #tpu.memory_space<vmem>>
    %dma_wait3A_400 = arith.constant 0 : i32
    %dma_wait3A_401 = arith.constant 0 : i32
    %dma_wait3A_402 = tpu.memref_slice %arg2[%dma_wait3A_400, %dma_wait3A_401] : memref<26000x64xf32, #tpu.memory_space<hbm>> -> memref<26000x64xf32, #tpu.memory_space<hbm>>
    tpu.wait_indirect_dma semaphore(%arg7 : memref<!tpu.dma_semaphore, #tpu.memory_space<semaphore_mem>>) src(%dma_wait3A_402 : memref<26000x64xf32, #tpu.memory_space<hbm>>) dst(%dma_wait3A_396 : memref<128x64xf32, #tpu.memory_space<vmem>>)
    %dma_wait3A_403 = arith.constant 14 : i32
    %dma_wait3A_404 = arith.constant 128 : i32
    %dma_wait3A_405 = arith.constant 0 : i32
    %dma_wait3A_406 = tpu.memref_slice %arg6[%dma_wait3A_404, %dma_wait3A_405] : memref<1664x64xf32, #tpu.memory_space<vmem>> -> memref<128x64xf32, #tpu.memory_space<vmem>>
    %dma_wait3A_407 = arith.constant 0 : i32
    %dma_wait3A_408 = tpu.memref_slice %arg5[%dma_wait3A_403, %dma_wait3A_407] : memref<26x128xi32, #tpu.memory_space<vmem>> -> memref<1x128xi32, #tpu.memory_space<vmem>>
    %dma_wait3A_409 = tpu.memref_squeeze %dma_wait3A_408 : memref<1x128xi32, #tpu.memory_space<vmem>> -> memref<128xi32, #tpu.memory_space<vmem>>
    %dma_wait3A_410 = arith.constant 0 : i32
    %dma_wait3A_411 = arith.constant 0 : i32
    %dma_wait3A_412 = tpu.memref_slice %arg2[%dma_wait3A_410, %dma_wait3A_411] : memref<26000x64xf32, #tpu.memory_space<hbm>> -> memref<26000x64xf32, #tpu.memory_space<hbm>>
    tpu.wait_indirect_dma semaphore(%arg7 : memref<!tpu.dma_semaphore, #tpu.memory_space<semaphore_mem>>) src(%dma_wait3A_412 : memref<26000x64xf32, #tpu.memory_space<hbm>>) dst(%dma_wait3A_406 : memref<128x64xf32, #tpu.memory_space<vmem>>)
    %dma_wait3A_413 = arith.constant 15 : i32
    %dma_wait3A_414 = arith.constant 256 : i32
    %dma_wait3A_415 = arith.constant 0 : i32
    %dma_wait3A_416 = tpu.memref_slice %arg6[%dma_wait3A_414, %dma_wait3A_415] : memref<1664x64xf32, #tpu.memory_space<vmem>> -> memref<128x64xf32, #tpu.memory_space<vmem>>
    %dma_wait3A_417 = arith.constant 0 : i32
    %dma_wait3A_418 = tpu.memref_slice %arg5[%dma_wait3A_413, %dma_wait3A_417] : memref<26x128xi32, #tpu.memory_space<vmem>> -> memref<1x128xi32, #tpu.memory_space<vmem>>
    %dma_wait3A_419 = tpu.memref_squeeze %dma_wait3A_418 : memref<1x128xi32, #tpu.memory_space<vmem>> -> memref<128xi32, #tpu.memory_space<vmem>>
    %dma_wait3A_420 = arith.constant 0 : i32
    %dma_wait3A_421 = arith.constant 0 : i32
    %dma_wait3A_422 = tpu.memref_slice %arg2[%dma_wait3A_420, %dma_wait3A_421] : memref<26000x64xf32, #tpu.memory_space<hbm>> -> memref<26000x64xf32, #tpu.memory_space<hbm>>
    tpu.wait_indirect_dma semaphore(%arg7 : memref<!tpu.dma_semaphore, #tpu.memory_space<semaphore_mem>>) src(%dma_wait3A_422 : memref<26000x64xf32, #tpu.memory_space<hbm>>) dst(%dma_wait3A_416 : memref<128x64xf32, #tpu.memory_space<vmem>>)
    %dma_wait3A_423 = arith.constant 16 : i32
    %dma_wait3A_424 = arith.constant 384 : i32
    %dma_wait3A_425 = arith.constant 0 : i32
    %dma_wait3A_426 = tpu.memref_slice %arg6[%dma_wait3A_424, %dma_wait3A_425] : memref<1664x64xf32, #tpu.memory_space<vmem>> -> memref<128x64xf32, #tpu.memory_space<vmem>>
    %dma_wait3A_427 = arith.constant 0 : i32
    %dma_wait3A_428 = tpu.memref_slice %arg5[%dma_wait3A_423, %dma_wait3A_427] : memref<26x128xi32, #tpu.memory_space<vmem>> -> memref<1x128xi32, #tpu.memory_space<vmem>>
    %dma_wait3A_429 = tpu.memref_squeeze %dma_wait3A_428 : memref<1x128xi32, #tpu.memory_space<vmem>> -> memref<128xi32, #tpu.memory_space<vmem>>
    %dma_wait3A_430 = arith.constant 0 : i32
    %dma_wait3A_431 = arith.constant 0 : i32
    %dma_wait3A_432 = tpu.memref_slice %arg2[%dma_wait3A_430, %dma_wait3A_431] : memref<26000x64xf32, #tpu.memory_space<hbm>> -> memref<26000x64xf32, #tpu.memory_space<hbm>>
    tpu.wait_indirect_dma semaphore(%arg7 : memref<!tpu.dma_semaphore, #tpu.memory_space<semaphore_mem>>) src(%dma_wait3A_432 : memref<26000x64xf32, #tpu.memory_space<hbm>>) dst(%dma_wait3A_426 : memref<128x64xf32, #tpu.memory_space<vmem>>)
    %dma_wait3A_433 = arith.constant 17 : i32
    %dma_wait3A_434 = arith.constant 512 : i32
    %dma_wait3A_435 = arith.constant 0 : i32
    %dma_wait3A_436 = tpu.memref_slice %arg6[%dma_wait3A_434, %dma_wait3A_435] : memref<1664x64xf32, #tpu.memory_space<vmem>> -> memref<128x64xf32, #tpu.memory_space<vmem>>
    %dma_wait3A_437 = arith.constant 0 : i32
    %dma_wait3A_438 = tpu.memref_slice %arg5[%dma_wait3A_433, %dma_wait3A_437] : memref<26x128xi32, #tpu.memory_space<vmem>> -> memref<1x128xi32, #tpu.memory_space<vmem>>
    %dma_wait3A_439 = tpu.memref_squeeze %dma_wait3A_438 : memref<1x128xi32, #tpu.memory_space<vmem>> -> memref<128xi32, #tpu.memory_space<vmem>>
    %dma_wait3A_440 = arith.constant 0 : i32
    %dma_wait3A_441 = arith.constant 0 : i32
    %dma_wait3A_442 = tpu.memref_slice %arg2[%dma_wait3A_440, %dma_wait3A_441] : memref<26000x64xf32, #tpu.memory_space<hbm>> -> memref<26000x64xf32, #tpu.memory_space<hbm>>
    tpu.wait_indirect_dma semaphore(%arg7 : memref<!tpu.dma_semaphore, #tpu.memory_space<semaphore_mem>>) src(%dma_wait3A_442 : memref<26000x64xf32, #tpu.memory_space<hbm>>) dst(%dma_wait3A_436 : memref<128x64xf32, #tpu.memory_space<vmem>>)
    %dma_wait3A_443 = arith.constant 18 : i32
    %dma_wait3A_444 = arith.constant 640 : i32
    %dma_wait3A_445 = arith.constant 0 : i32
    %dma_wait3A_446 = tpu.memref_slice %arg6[%dma_wait3A_444, %dma_wait3A_445] : memref<1664x64xf32, #tpu.memory_space<vmem>> -> memref<128x64xf32, #tpu.memory_space<vmem>>
    %dma_wait3A_447 = arith.constant 0 : i32
    %dma_wait3A_448 = tpu.memref_slice %arg5[%dma_wait3A_443, %dma_wait3A_447] : memref<26x128xi32, #tpu.memory_space<vmem>> -> memref<1x128xi32, #tpu.memory_space<vmem>>
    %dma_wait3A_449 = tpu.memref_squeeze %dma_wait3A_448 : memref<1x128xi32, #tpu.memory_space<vmem>> -> memref<128xi32, #tpu.memory_space<vmem>>
    %dma_wait3A_450 = arith.constant 0 : i32
    %dma_wait3A_451 = arith.constant 0 : i32
    %dma_wait3A_452 = tpu.memref_slice %arg2[%dma_wait3A_450, %dma_wait3A_451] : memref<26000x64xf32, #tpu.memory_space<hbm>> -> memref<26000x64xf32, #tpu.memory_space<hbm>>
    tpu.wait_indirect_dma semaphore(%arg7 : memref<!tpu.dma_semaphore, #tpu.memory_space<semaphore_mem>>) src(%dma_wait3A_452 : memref<26000x64xf32, #tpu.memory_space<hbm>>) dst(%dma_wait3A_446 : memref<128x64xf32, #tpu.memory_space<vmem>>)
    %dma_wait3A_453 = arith.constant 19 : i32
    %dma_wait3A_454 = arith.constant 768 : i32
    %dma_wait3A_455 = arith.constant 0 : i32
    %dma_wait3A_456 = tpu.memref_slice %arg6[%dma_wait3A_454, %dma_wait3A_455] : memref<1664x64xf32, #tpu.memory_space<vmem>> -> memref<128x64xf32, #tpu.memory_space<vmem>>
    %dma_wait3A_457 = arith.constant 0 : i32
    %dma_wait3A_458 = tpu.memref_slice %arg5[%dma_wait3A_453, %dma_wait3A_457] : memref<26x128xi32, #tpu.memory_space<vmem>> -> memref<1x128xi32, #tpu.memory_space<vmem>>
    %dma_wait3A_459 = tpu.memref_squeeze %dma_wait3A_458 : memref<1x128xi32, #tpu.memory_space<vmem>> -> memref<128xi32, #tpu.memory_space<vmem>>
    %dma_wait3A_460 = arith.constant 0 : i32
    %dma_wait3A_461 = arith.constant 0 : i32
    %dma_wait3A_462 = tpu.memref_slice %arg2[%dma_wait3A_460, %dma_wait3A_461] : memref<26000x64xf32, #tpu.memory_space<hbm>> -> memref<26000x64xf32, #tpu.memory_space<hbm>>
    tpu.wait_indirect_dma semaphore(%arg7 : memref<!tpu.dma_semaphore, #tpu.memory_space<semaphore_mem>>) src(%dma_wait3A_462 : memref<26000x64xf32, #tpu.memory_space<hbm>>) dst(%dma_wait3A_456 : memref<128x64xf32, #tpu.memory_space<vmem>>)
    %dma_wait3A_463 = arith.constant 20 : i32
    %dma_wait3A_464 = arith.constant 896 : i32
    %dma_wait3A_465 = arith.constant 0 : i32
    %dma_wait3A_466 = tpu.memref_slice %arg6[%dma_wait3A_464, %dma_wait3A_465] : memref<1664x64xf32, #tpu.memory_space<vmem>> -> memref<128x64xf32, #tpu.memory_space<vmem>>
    %dma_wait3A_467 = arith.constant 0 : i32
    %dma_wait3A_468 = tpu.memref_slice %arg5[%dma_wait3A_463, %dma_wait3A_467] : memref<26x128xi32, #tpu.memory_space<vmem>> -> memref<1x128xi32, #tpu.memory_space<vmem>>
    %dma_wait3A_469 = tpu.memref_squeeze %dma_wait3A_468 : memref<1x128xi32, #tpu.memory_space<vmem>> -> memref<128xi32, #tpu.memory_space<vmem>>
    %dma_wait3A_470 = arith.constant 0 : i32
    %dma_wait3A_471 = arith.constant 0 : i32
    %dma_wait3A_472 = tpu.memref_slice %arg2[%dma_wait3A_470, %dma_wait3A_471] : memref<26000x64xf32, #tpu.memory_space<hbm>> -> memref<26000x64xf32, #tpu.memory_space<hbm>>
    tpu.wait_indirect_dma semaphore(%arg7 : memref<!tpu.dma_semaphore, #tpu.memory_space<semaphore_mem>>) src(%dma_wait3A_472 : memref<26000x64xf32, #tpu.memory_space<hbm>>) dst(%dma_wait3A_466 : memref<128x64xf32, #tpu.memory_space<vmem>>)
    %dma_wait3A_473 = arith.constant 21 : i32
    %dma_wait3A_474 = arith.constant 1024 : i32
    %dma_wait3A_475 = arith.constant 0 : i32
    %dma_wait3A_476 = tpu.memref_slice %arg6[%dma_wait3A_474, %dma_wait3A_475] : memref<1664x64xf32, #tpu.memory_space<vmem>> -> memref<128x64xf32, #tpu.memory_space<vmem>>
    %dma_wait3A_477 = arith.constant 0 : i32
    %dma_wait3A_478 = tpu.memref_slice %arg5[%dma_wait3A_473, %dma_wait3A_477] : memref<26x128xi32, #tpu.memory_space<vmem>> -> memref<1x128xi32, #tpu.memory_space<vmem>>
    %dma_wait3A_479 = tpu.memref_squeeze %dma_wait3A_478 : memref<1x128xi32, #tpu.memory_space<vmem>> -> memref<128xi32, #tpu.memory_space<vmem>>
    %dma_wait3A_480 = arith.constant 0 : i32
    %dma_wait3A_481 = arith.constant 0 : i32
    %dma_wait3A_482 = tpu.memref_slice %arg2[%dma_wait3A_480, %dma_wait3A_481] : memref<26000x64xf32, #tpu.memory_space<hbm>> -> memref<26000x64xf32, #tpu.memory_space<hbm>>
    tpu.wait_indirect_dma semaphore(%arg7 : memref<!tpu.dma_semaphore, #tpu.memory_space<semaphore_mem>>) src(%dma_wait3A_482 : memref<26000x64xf32, #tpu.memory_space<hbm>>) dst(%dma_wait3A_476 : memref<128x64xf32, #tpu.memory_space<vmem>>)
    %dma_wait3A_483 = arith.constant 22 : i32
    %dma_wait3A_484 = arith.constant 1152 : i32
    %dma_wait3A_485 = arith.constant 0 : i32
    %dma_wait3A_486 = tpu.memref_slice %arg6[%dma_wait3A_484, %dma_wait3A_485] : memref<1664x64xf32, #tpu.memory_space<vmem>> -> memref<128x64xf32, #tpu.memory_space<vmem>>
    %dma_wait3A_487 = arith.constant 0 : i32
    %dma_wait3A_488 = tpu.memref_slice %arg5[%dma_wait3A_483, %dma_wait3A_487] : memref<26x128xi32, #tpu.memory_space<vmem>> -> memref<1x128xi32, #tpu.memory_space<vmem>>
    %dma_wait3A_489 = tpu.memref_squeeze %dma_wait3A_488 : memref<1x128xi32, #tpu.memory_space<vmem>> -> memref<128xi32, #tpu.memory_space<vmem>>
    %dma_wait3A_490 = arith.constant 0 : i32
    %dma_wait3A_491 = arith.constant 0 : i32
    %dma_wait3A_492 = tpu.memref_slice %arg2[%dma_wait3A_490, %dma_wait3A_491] : memref<26000x64xf32, #tpu.memory_space<hbm>> -> memref<26000x64xf32, #tpu.memory_space<hbm>>
    tpu.wait_indirect_dma semaphore(%arg7 : memref<!tpu.dma_semaphore, #tpu.memory_space<semaphore_mem>>) src(%dma_wait3A_492 : memref<26000x64xf32, #tpu.memory_space<hbm>>) dst(%dma_wait3A_486 : memref<128x64xf32, #tpu.memory_space<vmem>>)
    %dma_wait3A_493 = arith.constant 23 : i32
    %dma_wait3A_494 = arith.constant 1280 : i32
    %dma_wait3A_495 = arith.constant 0 : i32
    %dma_wait3A_496 = tpu.memref_slice %arg6[%dma_wait3A_494, %dma_wait3A_495] : memref<1664x64xf32, #tpu.memory_space<vmem>> -> memref<128x64xf32, #tpu.memory_space<vmem>>
    %dma_wait3A_497 = arith.constant 0 : i32
    %dma_wait3A_498 = tpu.memref_slice %arg5[%dma_wait3A_493, %dma_wait3A_497] : memref<26x128xi32, #tpu.memory_space<vmem>> -> memref<1x128xi32, #tpu.memory_space<vmem>>
    %dma_wait3A_499 = tpu.memref_squeeze %dma_wait3A_498 : memref<1x128xi32, #tpu.memory_space<vmem>> -> memref<128xi32, #tpu.memory_space<vmem>>
    %dma_wait3A_500 = arith.constant 0 : i32
    %dma_wait3A_501 = arith.constant 0 : i32
    %dma_wait3A_502 = tpu.memref_slice %arg2[%dma_wait3A_500, %dma_wait3A_501] : memref<26000x64xf32, #tpu.memory_space<hbm>> -> memref<26000x64xf32, #tpu.memory_space<hbm>>
    tpu.wait_indirect_dma semaphore(%arg7 : memref<!tpu.dma_semaphore, #tpu.memory_space<semaphore_mem>>) src(%dma_wait3A_502 : memref<26000x64xf32, #tpu.memory_space<hbm>>) dst(%dma_wait3A_496 : memref<128x64xf32, #tpu.memory_space<vmem>>)
    %dma_wait3A_503 = arith.constant 24 : i32
    %dma_wait3A_504 = arith.constant 1408 : i32
    %dma_wait3A_505 = arith.constant 0 : i32
    %dma_wait3A_506 = tpu.memref_slice %arg6[%dma_wait3A_504, %dma_wait3A_505] : memref<1664x64xf32, #tpu.memory_space<vmem>> -> memref<128x64xf32, #tpu.memory_space<vmem>>
    %dma_wait3A_507 = arith.constant 0 : i32
    %dma_wait3A_508 = tpu.memref_slice %arg5[%dma_wait3A_503, %dma_wait3A_507] : memref<26x128xi32, #tpu.memory_space<vmem>> -> memref<1x128xi32, #tpu.memory_space<vmem>>
    %dma_wait3A_509 = tpu.memref_squeeze %dma_wait3A_508 : memref<1x128xi32, #tpu.memory_space<vmem>> -> memref<128xi32, #tpu.memory_space<vmem>>
    %dma_wait3A_510 = arith.constant 0 : i32
    %dma_wait3A_511 = arith.constant 0 : i32
    %dma_wait3A_512 = tpu.memref_slice %arg2[%dma_wait3A_510, %dma_wait3A_511] : memref<26000x64xf32, #tpu.memory_space<hbm>> -> memref<26000x64xf32, #tpu.memory_space<hbm>>
    tpu.wait_indirect_dma semaphore(%arg7 : memref<!tpu.dma_semaphore, #tpu.memory_space<semaphore_mem>>) src(%dma_wait3A_512 : memref<26000x64xf32, #tpu.memory_space<hbm>>) dst(%dma_wait3A_506 : memref<128x64xf32, #tpu.memory_space<vmem>>)
    %dma_wait3A_513 = arith.constant 25 : i32
    %dma_wait3A_514 = arith.constant 1536 : i32
    %dma_wait3A_515 = arith.constant 0 : i32
    %dma_wait3A_516 = tpu.memref_slice %arg6[%dma_wait3A_514, %dma_wait3A_515] : memref<1664x64xf32, #tpu.memory_space<vmem>> -> memref<128x64xf32, #tpu.memory_space<vmem>>
    %dma_wait3A_517 = arith.constant 0 : i32
    %dma_wait3A_518 = tpu.memref_slice %arg5[%dma_wait3A_513, %dma_wait3A_517] : memref<26x128xi32, #tpu.memory_space<vmem>> -> memref<1x128xi32, #tpu.memory_space<vmem>>
    %dma_wait3A_519 = tpu.memref_squeeze %dma_wait3A_518 : memref<1x128xi32, #tpu.memory_space<vmem>> -> memref<128xi32, #tpu.memory_space<vmem>>
    %dma_wait3A_520 = arith.constant 0 : i32
    %dma_wait3A_521 = arith.constant 0 : i32
    %dma_wait3A_522 = tpu.memref_slice %arg2[%dma_wait3A_520, %dma_wait3A_521] : memref<26000x64xf32, #tpu.memory_space<hbm>> -> memref<26000x64xf32, #tpu.memory_space<hbm>>
    tpu.wait_indirect_dma semaphore(%arg7 : memref<!tpu.dma_semaphore, #tpu.memory_space<semaphore_mem>>) src(%dma_wait3A_522 : memref<26000x64xf32, #tpu.memory_space<hbm>>) dst(%dma_wait3A_516 : memref<128x64xf32, #tpu.memory_space<vmem>>)
    %add3A_523 = arith.constant 1664 : i32
    %add3A_524 = arith.addi %mul3A_2, %add3A_523 : i32
    "tpu.region"() ({
      %run_scoped3A = tpu.sem_alloc : memref<!tpu.dma_semaphore, #tpu.memory_space<semaphore_mem>>
      %dma_start3A_525 = arith.constant 0 : i32
      %dma_start3A_526 = tpu.memref_slice %arg4[%add3A_524, %dma_start3A_525] : memref<106496x64xf32, #tpu.memory_space<hbm>> -> memref<1664x64xf32, #tpu.memory_space<hbm>>
      %dma_start3A_527 = arith.constant 0 : i32
      %dma_start3A_528 = tpu.memref_slice %arg4[%add3A_524, %dma_start3A_527] : memref<106496x64xf32, #tpu.memory_space<hbm>> -> memref<1664x64xf32, #tpu.memory_space<hbm>>
      tpu.enqueue_dma source(%arg6 : memref<1664x64xf32, #tpu.memory_space<vmem>>) target(%dma_start3A_528 : memref<1664x64xf32, #tpu.memory_space<hbm>>) target_semaphore(%run_scoped3A : memref<!tpu.dma_semaphore, #tpu.memory_space<semaphore_mem>>)
      %dma_wait3A_529 = arith.constant 0 : i32
      %dma_wait3A_530 = tpu.memref_slice %arg4[%add3A_524, %dma_wait3A_529] : memref<106496x64xf32, #tpu.memory_space<hbm>> -> memref<1664x64xf32, #tpu.memory_space<hbm>>
      %dma_wait3A_531 = arith.constant 0 : i32
      %dma_wait3A_532 = tpu.memref_slice %arg4[%add3A_524, %dma_wait3A_531] : memref<106496x64xf32, #tpu.memory_space<hbm>> -> memref<1664x64xf32, #tpu.memory_space<hbm>>
      tpu.wait_dma2 semaphore(%run_scoped3A : memref<!tpu.dma_semaphore, #tpu.memory_space<semaphore_mem>>) src(%arg6 : memref<1664x64xf32, #tpu.memory_space<vmem>>) dst(%dma_wait3A_532 : memref<1664x64xf32, #tpu.memory_space<hbm>>)
      tpu.yield
    }) : () -> ()
    return
  }
}

module attributes {stable_mosaic.version = 14 : i64} {
  func.func @_tc_body(%arg0: i32, %arg1: memref<1x128xf32, #tpu.memory_space<vmem>>, %arg2: memref<256x1664xf32, #tpu.memory_space<vmem>>, %arg3: memref<1664x1024xbf16, #tpu.memory_space<vmem>>, %arg4: memref<676x1024xbf16, #tpu.memory_space<vmem>>, %arg5: memref<1x1024xf32, #tpu.memory_space<vmem>>, %arg6: memref<1024x512xbf16, #tpu.memory_space<vmem>>, %arg7: memref<1x512xf32, #tpu.memory_space<vmem>>, %arg8: memref<512x256xbf16, #tpu.memory_space<vmem>>, %arg9: memref<1x256xf32, #tpu.memory_space<vmem>>, %arg10: memref<1x256xf32, #tpu.memory_space<vmem>>, %arg11: memref<1x1xf32, #tpu.memory_space<vmem>>, %arg12: memref<256x1xf32, #tpu.memory_space<vmem>>) attributes {dimension_semantics = [#tpu.dimension_semantics<parallel>], iteration_bounds = array<i64: 16>, scalar_prefetch = 0 : i64, scratch_operands = 0 : i64, tpu.core_type = #tpu.core_type<tc>, window_params = [{pipeline_mode = #tpu.pipeline_mode<synchronous>, transform_indices = @transform_0, window_bounds = array<i64: 1, 128>}, {transform_indices = @transform_1, window_bounds = array<i64: 256, 1664>}, {pipeline_mode = #tpu.pipeline_mode<synchronous>, transform_indices = @transform_2, window_bounds = array<i64: 1664, 1024>}, {pipeline_mode = #tpu.pipeline_mode<synchronous>, transform_indices = @transform_3, window_bounds = array<i64: 676, 1024>}, {pipeline_mode = #tpu.pipeline_mode<synchronous>, transform_indices = @transform_4, window_bounds = array<i64: 1, 1024>}, {pipeline_mode = #tpu.pipeline_mode<synchronous>, transform_indices = @transform_5, window_bounds = array<i64: 1024, 512>}, {pipeline_mode = #tpu.pipeline_mode<synchronous>, transform_indices = @transform_6, window_bounds = array<i64: 1, 512>}, {pipeline_mode = #tpu.pipeline_mode<synchronous>, transform_indices = @transform_7, window_bounds = array<i64: 512, 256>}, {pipeline_mode = #tpu.pipeline_mode<synchronous>, transform_indices = @transform_8, window_bounds = array<i64: 1, 256>}, {pipeline_mode = #tpu.pipeline_mode<synchronous>, transform_indices = @transform_9, window_bounds = array<i64: 1, 256>}, {pipeline_mode = #tpu.pipeline_mode<synchronous>, transform_indices = @transform_10, window_bounds = array<i64: 1, 1>}, {transform_indices = @transform_11, window_bounds = array<i64: 256, 1>}]} {
    %get3A = arith.constant 0 : index
    %get3A_0 = arith.constant 0 : index
    %get3A_1 = vector.load %arg1[%get3A, %get3A_0] : memref<1x128xf32, #tpu.memory_space<vmem>>, vector<1x128xf32>
    %reduce_max3A = arith.constant dense<0xFF800000> : vector<1xf32>
    %reduce_max3A_2 = vector.multi_reduction <maximumf>, %get3A_1, %reduce_max3A [1] : vector<1x128xf32> to vector<1xf32>
    %broadcast_in_dim3A = vector.shape_cast %reduce_max3A_2 : vector<1xf32> to vector<1x1xf32>
    %sub3A = vector.broadcast %broadcast_in_dim3A : vector<1x1xf32> to vector<1x128xf32>
    %sub3A_3 = arith.subf %get3A_1, %sub3A : vector<1x128xf32>
    %exp3A = math.exp %sub3A_3 : vector<1x128xf32>
    %reduce_sum3A = arith.constant dense<0.000000e+00> : vector<1xf32>
    %reduce_sum3A_4 = vector.multi_reduction <add>, %exp3A, %reduce_sum3A [1] : vector<1x128xf32> to vector<1xf32>
    %broadcast_in_dim3A_5 = vector.shape_cast %reduce_sum3A_4 : vector<1xf32> to vector<1x1xf32>
    %div3A = vector.broadcast %broadcast_in_dim3A_5 : vector<1x1xf32> to vector<1x128xf32>
    %div3A_6 = arith.divf %exp3A, %div3A : vector<1x128xf32>
    %iota3A = tpu.iota {dimensions = array<i32: 1>} : vector<1x1664xi32>
    %jit3A = arith.constant 64 : i32
    %div3A_7 = vector.broadcast %jit3A : i32 to vector<1x1664xi32>
    %div3A_8 = arith.divsi %iota3A, %div3A_7 : vector<1x1664xi32>
    %sign3A = arith.constant 0 : i32
    %sign3A_9 = vector.broadcast %sign3A : i32 to vector<1x1664xi32>
    %sign3A_10 = arith.cmpi sgt, %iota3A, %sign3A_9 : vector<1x1664xi32>
    %sign3A_11 = arith.extui %sign3A_10 : vector<1x1664xi1> to vector<1x1664xi32>
    %sign3A_12 = arith.constant 0 : i32
    %sign3A_13 = vector.broadcast %sign3A_12 : i32 to vector<1x1664xi32>
    %sign3A_14 = arith.cmpi slt, %iota3A, %sign3A_13 : vector<1x1664xi32>
    %sign3A_15 = arith.extui %sign3A_14 : vector<1x1664xi1> to vector<1x1664xi32>
    %sign3A_16 = arith.subi %sign3A_11, %sign3A_15 : vector<1x1664xi32>
    %sign3A_17 = arith.constant 0 : i32
    %sign3A_18 = arith.cmpi sgt, %jit3A, %sign3A_17 : i32
    %sign3A_19 = arith.extui %sign3A_18 : i1 to i32
    %sign3A_20 = arith.constant 0 : i32
    %sign3A_21 = arith.cmpi slt, %jit3A, %sign3A_20 : i32
    %sign3A_22 = arith.extui %sign3A_21 : i1 to i32
    %sign3A_23 = arith.subi %sign3A_19, %sign3A_22 : i32
    %ne3A = vector.broadcast %sign3A_23 : i32 to vector<1x1664xi32>
    %ne3A_24 = arith.cmpi ne, %sign3A_16, %ne3A : vector<1x1664xi32>
    %rem3A = vector.broadcast %jit3A : i32 to vector<1x1664xi32>
    %rem3A_25 = arith.remsi %iota3A, %rem3A : vector<1x1664xi32>
    %ne3A_26 = arith.constant 0 : i32
    %ne3A_27 = vector.broadcast %ne3A_26 : i32 to vector<1x1664xi32>
    %ne3A_28 = arith.cmpi ne, %rem3A_25, %ne3A_27 : vector<1x1664xi32>
    %and3A = arith.andi %ne3A_24, %ne3A_28 : vector<1x1664xi1>
    %sub3A_29 = arith.constant 1 : i32
    %sub3A_30 = vector.broadcast %sub3A_29 : i32 to vector<1x1664xi32>
    %sub3A_31 = arith.subi %div3A_8, %sub3A_30 : vector<1x1664xi32>
    %select_n3A = arith.select %and3A, %sub3A_31, %div3A_8 : vector<1x1664xi1>, vector<1x1664xi32>
    %broadcast_in_dim3A_32 = arith.constant 0.000000e+00 : f32
    %broadcast_in_dim3A_33 = vector.broadcast %broadcast_in_dim3A_32 : f32 to vector<1x1664xf32>
    %slice3A = vector.extract_strided_slice %div3A_6 {offsets = [0, 0], sizes = [1, 1], strides = [1, 1]} : vector<1x128xf32> to vector<1x1xf32>
    %eq3A = arith.constant 0 : i32
    %eq3A_34 = vector.broadcast %eq3A : i32 to vector<1x1664xi32>
    %eq3A_35 = arith.cmpi eq, %select_n3A, %eq3A_34 : vector<1x1664xi32>
    %jit3A_36 = arith.constant 0.000000e+00 : f32
    %broadcast_in_dim3A_37 = vector.shape_cast %slice3A : vector<1x1xf32> to vector<1x1xf32>
    %broadcast_in_dim3A_38 = vector.broadcast %broadcast_in_dim3A_37 : vector<1x1xf32> to vector<1x1664xf32>
    %broadcast_in_dim3A_39 = vector.broadcast %jit3A_36 : f32 to vector<1x1664xf32>
    %select_n3A_40 = arith.select %eq3A_35, %broadcast_in_dim3A_38, %broadcast_in_dim3A_39 : vector<1x1664xi1>, vector<1x1664xf32>
    %add3A = arith.addf %broadcast_in_dim3A_33, %select_n3A_40 : vector<1x1664xf32>
    %slice3A_41 = vector.extract_strided_slice %div3A_6 {offsets = [0, 1], sizes = [1, 1], strides = [1, 1]} : vector<1x128xf32> to vector<1x1xf32>
    %eq3A_42 = arith.constant 1 : i32
    %eq3A_43 = vector.broadcast %eq3A_42 : i32 to vector<1x1664xi32>
    %eq3A_44 = arith.cmpi eq, %select_n3A, %eq3A_43 : vector<1x1664xi32>
    %jit3A_45 = arith.constant 0.000000e+00 : f32
    %broadcast_in_dim3A_46 = vector.shape_cast %slice3A_41 : vector<1x1xf32> to vector<1x1xf32>
    %broadcast_in_dim3A_47 = vector.broadcast %broadcast_in_dim3A_46 : vector<1x1xf32> to vector<1x1664xf32>
    %broadcast_in_dim3A_48 = vector.broadcast %jit3A_45 : f32 to vector<1x1664xf32>
    %select_n3A_49 = arith.select %eq3A_44, %broadcast_in_dim3A_47, %broadcast_in_dim3A_48 : vector<1x1664xi1>, vector<1x1664xf32>
    %add3A_50 = arith.addf %add3A, %select_n3A_49 : vector<1x1664xf32>
    %slice3A_51 = vector.extract_strided_slice %div3A_6 {offsets = [0, 2], sizes = [1, 1], strides = [1, 1]} : vector<1x128xf32> to vector<1x1xf32>
    %eq3A_52 = arith.constant 2 : i32
    %eq3A_53 = vector.broadcast %eq3A_52 : i32 to vector<1x1664xi32>
    %eq3A_54 = arith.cmpi eq, %select_n3A, %eq3A_53 : vector<1x1664xi32>
    %jit3A_55 = arith.constant 0.000000e+00 : f32
    %broadcast_in_dim3A_56 = vector.shape_cast %slice3A_51 : vector<1x1xf32> to vector<1x1xf32>
    %broadcast_in_dim3A_57 = vector.broadcast %broadcast_in_dim3A_56 : vector<1x1xf32> to vector<1x1664xf32>
    %broadcast_in_dim3A_58 = vector.broadcast %jit3A_55 : f32 to vector<1x1664xf32>
    %select_n3A_59 = arith.select %eq3A_54, %broadcast_in_dim3A_57, %broadcast_in_dim3A_58 : vector<1x1664xi1>, vector<1x1664xf32>
    %add3A_60 = arith.addf %add3A_50, %select_n3A_59 : vector<1x1664xf32>
    %slice3A_61 = vector.extract_strided_slice %div3A_6 {offsets = [0, 3], sizes = [1, 1], strides = [1, 1]} : vector<1x128xf32> to vector<1x1xf32>
    %eq3A_62 = arith.constant 3 : i32
    %eq3A_63 = vector.broadcast %eq3A_62 : i32 to vector<1x1664xi32>
    %eq3A_64 = arith.cmpi eq, %select_n3A, %eq3A_63 : vector<1x1664xi32>
    %jit3A_65 = arith.constant 0.000000e+00 : f32
    %broadcast_in_dim3A_66 = vector.shape_cast %slice3A_61 : vector<1x1xf32> to vector<1x1xf32>
    %broadcast_in_dim3A_67 = vector.broadcast %broadcast_in_dim3A_66 : vector<1x1xf32> to vector<1x1664xf32>
    %broadcast_in_dim3A_68 = vector.broadcast %jit3A_65 : f32 to vector<1x1664xf32>
    %select_n3A_69 = arith.select %eq3A_64, %broadcast_in_dim3A_67, %broadcast_in_dim3A_68 : vector<1x1664xi1>, vector<1x1664xf32>
    %add3A_70 = arith.addf %add3A_60, %select_n3A_69 : vector<1x1664xf32>
    %slice3A_71 = vector.extract_strided_slice %div3A_6 {offsets = [0, 4], sizes = [1, 1], strides = [1, 1]} : vector<1x128xf32> to vector<1x1xf32>
    %eq3A_72 = arith.constant 4 : i32
    %eq3A_73 = vector.broadcast %eq3A_72 : i32 to vector<1x1664xi32>
    %eq3A_74 = arith.cmpi eq, %select_n3A, %eq3A_73 : vector<1x1664xi32>
    %jit3A_75 = arith.constant 0.000000e+00 : f32
    %broadcast_in_dim3A_76 = vector.shape_cast %slice3A_71 : vector<1x1xf32> to vector<1x1xf32>
    %broadcast_in_dim3A_77 = vector.broadcast %broadcast_in_dim3A_76 : vector<1x1xf32> to vector<1x1664xf32>
    %broadcast_in_dim3A_78 = vector.broadcast %jit3A_75 : f32 to vector<1x1664xf32>
    %select_n3A_79 = arith.select %eq3A_74, %broadcast_in_dim3A_77, %broadcast_in_dim3A_78 : vector<1x1664xi1>, vector<1x1664xf32>
    %add3A_80 = arith.addf %add3A_70, %select_n3A_79 : vector<1x1664xf32>
    %slice3A_81 = vector.extract_strided_slice %div3A_6 {offsets = [0, 5], sizes = [1, 1], strides = [1, 1]} : vector<1x128xf32> to vector<1x1xf32>
    %eq3A_82 = arith.constant 5 : i32
    %eq3A_83 = vector.broadcast %eq3A_82 : i32 to vector<1x1664xi32>
    %eq3A_84 = arith.cmpi eq, %select_n3A, %eq3A_83 : vector<1x1664xi32>
    %jit3A_85 = arith.constant 0.000000e+00 : f32
    %broadcast_in_dim3A_86 = vector.shape_cast %slice3A_81 : vector<1x1xf32> to vector<1x1xf32>
    %broadcast_in_dim3A_87 = vector.broadcast %broadcast_in_dim3A_86 : vector<1x1xf32> to vector<1x1664xf32>
    %broadcast_in_dim3A_88 = vector.broadcast %jit3A_85 : f32 to vector<1x1664xf32>
    %select_n3A_89 = arith.select %eq3A_84, %broadcast_in_dim3A_87, %broadcast_in_dim3A_88 : vector<1x1664xi1>, vector<1x1664xf32>
    %add3A_90 = arith.addf %add3A_80, %select_n3A_89 : vector<1x1664xf32>
    %slice3A_91 = vector.extract_strided_slice %div3A_6 {offsets = [0, 6], sizes = [1, 1], strides = [1, 1]} : vector<1x128xf32> to vector<1x1xf32>
    %eq3A_92 = arith.constant 6 : i32
    %eq3A_93 = vector.broadcast %eq3A_92 : i32 to vector<1x1664xi32>
    %eq3A_94 = arith.cmpi eq, %select_n3A, %eq3A_93 : vector<1x1664xi32>
    %jit3A_95 = arith.constant 0.000000e+00 : f32
    %broadcast_in_dim3A_96 = vector.shape_cast %slice3A_91 : vector<1x1xf32> to vector<1x1xf32>
    %broadcast_in_dim3A_97 = vector.broadcast %broadcast_in_dim3A_96 : vector<1x1xf32> to vector<1x1664xf32>
    %broadcast_in_dim3A_98 = vector.broadcast %jit3A_95 : f32 to vector<1x1664xf32>
    %select_n3A_99 = arith.select %eq3A_94, %broadcast_in_dim3A_97, %broadcast_in_dim3A_98 : vector<1x1664xi1>, vector<1x1664xf32>
    %add3A_100 = arith.addf %add3A_90, %select_n3A_99 : vector<1x1664xf32>
    %slice3A_101 = vector.extract_strided_slice %div3A_6 {offsets = [0, 7], sizes = [1, 1], strides = [1, 1]} : vector<1x128xf32> to vector<1x1xf32>
    %eq3A_102 = arith.constant 7 : i32
    %eq3A_103 = vector.broadcast %eq3A_102 : i32 to vector<1x1664xi32>
    %eq3A_104 = arith.cmpi eq, %select_n3A, %eq3A_103 : vector<1x1664xi32>
    %jit3A_105 = arith.constant 0.000000e+00 : f32
    %broadcast_in_dim3A_106 = vector.shape_cast %slice3A_101 : vector<1x1xf32> to vector<1x1xf32>
    %broadcast_in_dim3A_107 = vector.broadcast %broadcast_in_dim3A_106 : vector<1x1xf32> to vector<1x1664xf32>
    %broadcast_in_dim3A_108 = vector.broadcast %jit3A_105 : f32 to vector<1x1664xf32>
    %select_n3A_109 = arith.select %eq3A_104, %broadcast_in_dim3A_107, %broadcast_in_dim3A_108 : vector<1x1664xi1>, vector<1x1664xf32>
    %add3A_110 = arith.addf %add3A_100, %select_n3A_109 : vector<1x1664xf32>
    %slice3A_111 = vector.extract_strided_slice %div3A_6 {offsets = [0, 8], sizes = [1, 1], strides = [1, 1]} : vector<1x128xf32> to vector<1x1xf32>
    %eq3A_112 = arith.constant 8 : i32
    %eq3A_113 = vector.broadcast %eq3A_112 : i32 to vector<1x1664xi32>
    %eq3A_114 = arith.cmpi eq, %select_n3A, %eq3A_113 : vector<1x1664xi32>
    %jit3A_115 = arith.constant 0.000000e+00 : f32
    %broadcast_in_dim3A_116 = vector.shape_cast %slice3A_111 : vector<1x1xf32> to vector<1x1xf32>
    %broadcast_in_dim3A_117 = vector.broadcast %broadcast_in_dim3A_116 : vector<1x1xf32> to vector<1x1664xf32>
    %broadcast_in_dim3A_118 = vector.broadcast %jit3A_115 : f32 to vector<1x1664xf32>
    %select_n3A_119 = arith.select %eq3A_114, %broadcast_in_dim3A_117, %broadcast_in_dim3A_118 : vector<1x1664xi1>, vector<1x1664xf32>
    %add3A_120 = arith.addf %add3A_110, %select_n3A_119 : vector<1x1664xf32>
    %slice3A_121 = vector.extract_strided_slice %div3A_6 {offsets = [0, 9], sizes = [1, 1], strides = [1, 1]} : vector<1x128xf32> to vector<1x1xf32>
    %eq3A_122 = arith.constant 9 : i32
    %eq3A_123 = vector.broadcast %eq3A_122 : i32 to vector<1x1664xi32>
    %eq3A_124 = arith.cmpi eq, %select_n3A, %eq3A_123 : vector<1x1664xi32>
    %jit3A_125 = arith.constant 0.000000e+00 : f32
    %broadcast_in_dim3A_126 = vector.shape_cast %slice3A_121 : vector<1x1xf32> to vector<1x1xf32>
    %broadcast_in_dim3A_127 = vector.broadcast %broadcast_in_dim3A_126 : vector<1x1xf32> to vector<1x1664xf32>
    %broadcast_in_dim3A_128 = vector.broadcast %jit3A_125 : f32 to vector<1x1664xf32>
    %select_n3A_129 = arith.select %eq3A_124, %broadcast_in_dim3A_127, %broadcast_in_dim3A_128 : vector<1x1664xi1>, vector<1x1664xf32>
    %add3A_130 = arith.addf %add3A_120, %select_n3A_129 : vector<1x1664xf32>
    %slice3A_131 = vector.extract_strided_slice %div3A_6 {offsets = [0, 10], sizes = [1, 1], strides = [1, 1]} : vector<1x128xf32> to vector<1x1xf32>
    %eq3A_132 = arith.constant 10 : i32
    %eq3A_133 = vector.broadcast %eq3A_132 : i32 to vector<1x1664xi32>
    %eq3A_134 = arith.cmpi eq, %select_n3A, %eq3A_133 : vector<1x1664xi32>
    %jit3A_135 = arith.constant 0.000000e+00 : f32
    %broadcast_in_dim3A_136 = vector.shape_cast %slice3A_131 : vector<1x1xf32> to vector<1x1xf32>
    %broadcast_in_dim3A_137 = vector.broadcast %broadcast_in_dim3A_136 : vector<1x1xf32> to vector<1x1664xf32>
    %broadcast_in_dim3A_138 = vector.broadcast %jit3A_135 : f32 to vector<1x1664xf32>
    %select_n3A_139 = arith.select %eq3A_134, %broadcast_in_dim3A_137, %broadcast_in_dim3A_138 : vector<1x1664xi1>, vector<1x1664xf32>
    %add3A_140 = arith.addf %add3A_130, %select_n3A_139 : vector<1x1664xf32>
    %slice3A_141 = vector.extract_strided_slice %div3A_6 {offsets = [0, 11], sizes = [1, 1], strides = [1, 1]} : vector<1x128xf32> to vector<1x1xf32>
    %eq3A_142 = arith.constant 11 : i32
    %eq3A_143 = vector.broadcast %eq3A_142 : i32 to vector<1x1664xi32>
    %eq3A_144 = arith.cmpi eq, %select_n3A, %eq3A_143 : vector<1x1664xi32>
    %jit3A_145 = arith.constant 0.000000e+00 : f32
    %broadcast_in_dim3A_146 = vector.shape_cast %slice3A_141 : vector<1x1xf32> to vector<1x1xf32>
    %broadcast_in_dim3A_147 = vector.broadcast %broadcast_in_dim3A_146 : vector<1x1xf32> to vector<1x1664xf32>
    %broadcast_in_dim3A_148 = vector.broadcast %jit3A_145 : f32 to vector<1x1664xf32>
    %select_n3A_149 = arith.select %eq3A_144, %broadcast_in_dim3A_147, %broadcast_in_dim3A_148 : vector<1x1664xi1>, vector<1x1664xf32>
    %add3A_150 = arith.addf %add3A_140, %select_n3A_149 : vector<1x1664xf32>
    %slice3A_151 = vector.extract_strided_slice %div3A_6 {offsets = [0, 12], sizes = [1, 1], strides = [1, 1]} : vector<1x128xf32> to vector<1x1xf32>
    %eq3A_152 = arith.constant 12 : i32
    %eq3A_153 = vector.broadcast %eq3A_152 : i32 to vector<1x1664xi32>
    %eq3A_154 = arith.cmpi eq, %select_n3A, %eq3A_153 : vector<1x1664xi32>
    %jit3A_155 = arith.constant 0.000000e+00 : f32
    %broadcast_in_dim3A_156 = vector.shape_cast %slice3A_151 : vector<1x1xf32> to vector<1x1xf32>
    %broadcast_in_dim3A_157 = vector.broadcast %broadcast_in_dim3A_156 : vector<1x1xf32> to vector<1x1664xf32>
    %broadcast_in_dim3A_158 = vector.broadcast %jit3A_155 : f32 to vector<1x1664xf32>
    %select_n3A_159 = arith.select %eq3A_154, %broadcast_in_dim3A_157, %broadcast_in_dim3A_158 : vector<1x1664xi1>, vector<1x1664xf32>
    %add3A_160 = arith.addf %add3A_150, %select_n3A_159 : vector<1x1664xf32>
    %slice3A_161 = vector.extract_strided_slice %div3A_6 {offsets = [0, 13], sizes = [1, 1], strides = [1, 1]} : vector<1x128xf32> to vector<1x1xf32>
    %eq3A_162 = arith.constant 13 : i32
    %eq3A_163 = vector.broadcast %eq3A_162 : i32 to vector<1x1664xi32>
    %eq3A_164 = arith.cmpi eq, %select_n3A, %eq3A_163 : vector<1x1664xi32>
    %jit3A_165 = arith.constant 0.000000e+00 : f32
    %broadcast_in_dim3A_166 = vector.shape_cast %slice3A_161 : vector<1x1xf32> to vector<1x1xf32>
    %broadcast_in_dim3A_167 = vector.broadcast %broadcast_in_dim3A_166 : vector<1x1xf32> to vector<1x1664xf32>
    %broadcast_in_dim3A_168 = vector.broadcast %jit3A_165 : f32 to vector<1x1664xf32>
    %select_n3A_169 = arith.select %eq3A_164, %broadcast_in_dim3A_167, %broadcast_in_dim3A_168 : vector<1x1664xi1>, vector<1x1664xf32>
    %add3A_170 = arith.addf %add3A_160, %select_n3A_169 : vector<1x1664xf32>
    %slice3A_171 = vector.extract_strided_slice %div3A_6 {offsets = [0, 14], sizes = [1, 1], strides = [1, 1]} : vector<1x128xf32> to vector<1x1xf32>
    %eq3A_172 = arith.constant 14 : i32
    %eq3A_173 = vector.broadcast %eq3A_172 : i32 to vector<1x1664xi32>
    %eq3A_174 = arith.cmpi eq, %select_n3A, %eq3A_173 : vector<1x1664xi32>
    %jit3A_175 = arith.constant 0.000000e+00 : f32
    %broadcast_in_dim3A_176 = vector.shape_cast %slice3A_171 : vector<1x1xf32> to vector<1x1xf32>
    %broadcast_in_dim3A_177 = vector.broadcast %broadcast_in_dim3A_176 : vector<1x1xf32> to vector<1x1664xf32>
    %broadcast_in_dim3A_178 = vector.broadcast %jit3A_175 : f32 to vector<1x1664xf32>
    %select_n3A_179 = arith.select %eq3A_174, %broadcast_in_dim3A_177, %broadcast_in_dim3A_178 : vector<1x1664xi1>, vector<1x1664xf32>
    %add3A_180 = arith.addf %add3A_170, %select_n3A_179 : vector<1x1664xf32>
    %slice3A_181 = vector.extract_strided_slice %div3A_6 {offsets = [0, 15], sizes = [1, 1], strides = [1, 1]} : vector<1x128xf32> to vector<1x1xf32>
    %eq3A_182 = arith.constant 15 : i32
    %eq3A_183 = vector.broadcast %eq3A_182 : i32 to vector<1x1664xi32>
    %eq3A_184 = arith.cmpi eq, %select_n3A, %eq3A_183 : vector<1x1664xi32>
    %jit3A_185 = arith.constant 0.000000e+00 : f32
    %broadcast_in_dim3A_186 = vector.shape_cast %slice3A_181 : vector<1x1xf32> to vector<1x1xf32>
    %broadcast_in_dim3A_187 = vector.broadcast %broadcast_in_dim3A_186 : vector<1x1xf32> to vector<1x1664xf32>
    %broadcast_in_dim3A_188 = vector.broadcast %jit3A_185 : f32 to vector<1x1664xf32>
    %select_n3A_189 = arith.select %eq3A_184, %broadcast_in_dim3A_187, %broadcast_in_dim3A_188 : vector<1x1664xi1>, vector<1x1664xf32>
    %add3A_190 = arith.addf %add3A_180, %select_n3A_189 : vector<1x1664xf32>
    %slice3A_191 = vector.extract_strided_slice %div3A_6 {offsets = [0, 16], sizes = [1, 1], strides = [1, 1]} : vector<1x128xf32> to vector<1x1xf32>
    %eq3A_192 = arith.constant 16 : i32
    %eq3A_193 = vector.broadcast %eq3A_192 : i32 to vector<1x1664xi32>
    %eq3A_194 = arith.cmpi eq, %select_n3A, %eq3A_193 : vector<1x1664xi32>
    %jit3A_195 = arith.constant 0.000000e+00 : f32
    %broadcast_in_dim3A_196 = vector.shape_cast %slice3A_191 : vector<1x1xf32> to vector<1x1xf32>
    %broadcast_in_dim3A_197 = vector.broadcast %broadcast_in_dim3A_196 : vector<1x1xf32> to vector<1x1664xf32>
    %broadcast_in_dim3A_198 = vector.broadcast %jit3A_195 : f32 to vector<1x1664xf32>
    %select_n3A_199 = arith.select %eq3A_194, %broadcast_in_dim3A_197, %broadcast_in_dim3A_198 : vector<1x1664xi1>, vector<1x1664xf32>
    %add3A_200 = arith.addf %add3A_190, %select_n3A_199 : vector<1x1664xf32>
    %slice3A_201 = vector.extract_strided_slice %div3A_6 {offsets = [0, 17], sizes = [1, 1], strides = [1, 1]} : vector<1x128xf32> to vector<1x1xf32>
    %eq3A_202 = arith.constant 17 : i32
    %eq3A_203 = vector.broadcast %eq3A_202 : i32 to vector<1x1664xi32>
    %eq3A_204 = arith.cmpi eq, %select_n3A, %eq3A_203 : vector<1x1664xi32>
    %jit3A_205 = arith.constant 0.000000e+00 : f32
    %broadcast_in_dim3A_206 = vector.shape_cast %slice3A_201 : vector<1x1xf32> to vector<1x1xf32>
    %broadcast_in_dim3A_207 = vector.broadcast %broadcast_in_dim3A_206 : vector<1x1xf32> to vector<1x1664xf32>
    %broadcast_in_dim3A_208 = vector.broadcast %jit3A_205 : f32 to vector<1x1664xf32>
    %select_n3A_209 = arith.select %eq3A_204, %broadcast_in_dim3A_207, %broadcast_in_dim3A_208 : vector<1x1664xi1>, vector<1x1664xf32>
    %add3A_210 = arith.addf %add3A_200, %select_n3A_209 : vector<1x1664xf32>
    %slice3A_211 = vector.extract_strided_slice %div3A_6 {offsets = [0, 18], sizes = [1, 1], strides = [1, 1]} : vector<1x128xf32> to vector<1x1xf32>
    %eq3A_212 = arith.constant 18 : i32
    %eq3A_213 = vector.broadcast %eq3A_212 : i32 to vector<1x1664xi32>
    %eq3A_214 = arith.cmpi eq, %select_n3A, %eq3A_213 : vector<1x1664xi32>
    %jit3A_215 = arith.constant 0.000000e+00 : f32
    %broadcast_in_dim3A_216 = vector.shape_cast %slice3A_211 : vector<1x1xf32> to vector<1x1xf32>
    %broadcast_in_dim3A_217 = vector.broadcast %broadcast_in_dim3A_216 : vector<1x1xf32> to vector<1x1664xf32>
    %broadcast_in_dim3A_218 = vector.broadcast %jit3A_215 : f32 to vector<1x1664xf32>
    %select_n3A_219 = arith.select %eq3A_214, %broadcast_in_dim3A_217, %broadcast_in_dim3A_218 : vector<1x1664xi1>, vector<1x1664xf32>
    %add3A_220 = arith.addf %add3A_210, %select_n3A_219 : vector<1x1664xf32>
    %slice3A_221 = vector.extract_strided_slice %div3A_6 {offsets = [0, 19], sizes = [1, 1], strides = [1, 1]} : vector<1x128xf32> to vector<1x1xf32>
    %eq3A_222 = arith.constant 19 : i32
    %eq3A_223 = vector.broadcast %eq3A_222 : i32 to vector<1x1664xi32>
    %eq3A_224 = arith.cmpi eq, %select_n3A, %eq3A_223 : vector<1x1664xi32>
    %jit3A_225 = arith.constant 0.000000e+00 : f32
    %broadcast_in_dim3A_226 = vector.shape_cast %slice3A_221 : vector<1x1xf32> to vector<1x1xf32>
    %broadcast_in_dim3A_227 = vector.broadcast %broadcast_in_dim3A_226 : vector<1x1xf32> to vector<1x1664xf32>
    %broadcast_in_dim3A_228 = vector.broadcast %jit3A_225 : f32 to vector<1x1664xf32>
    %select_n3A_229 = arith.select %eq3A_224, %broadcast_in_dim3A_227, %broadcast_in_dim3A_228 : vector<1x1664xi1>, vector<1x1664xf32>
    %add3A_230 = arith.addf %add3A_220, %select_n3A_229 : vector<1x1664xf32>
    %slice3A_231 = vector.extract_strided_slice %div3A_6 {offsets = [0, 20], sizes = [1, 1], strides = [1, 1]} : vector<1x128xf32> to vector<1x1xf32>
    %eq3A_232 = arith.constant 20 : i32
    %eq3A_233 = vector.broadcast %eq3A_232 : i32 to vector<1x1664xi32>
    %eq3A_234 = arith.cmpi eq, %select_n3A, %eq3A_233 : vector<1x1664xi32>
    %jit3A_235 = arith.constant 0.000000e+00 : f32
    %broadcast_in_dim3A_236 = vector.shape_cast %slice3A_231 : vector<1x1xf32> to vector<1x1xf32>
    %broadcast_in_dim3A_237 = vector.broadcast %broadcast_in_dim3A_236 : vector<1x1xf32> to vector<1x1664xf32>
    %broadcast_in_dim3A_238 = vector.broadcast %jit3A_235 : f32 to vector<1x1664xf32>
    %select_n3A_239 = arith.select %eq3A_234, %broadcast_in_dim3A_237, %broadcast_in_dim3A_238 : vector<1x1664xi1>, vector<1x1664xf32>
    %add3A_240 = arith.addf %add3A_230, %select_n3A_239 : vector<1x1664xf32>
    %slice3A_241 = vector.extract_strided_slice %div3A_6 {offsets = [0, 21], sizes = [1, 1], strides = [1, 1]} : vector<1x128xf32> to vector<1x1xf32>
    %eq3A_242 = arith.constant 21 : i32
    %eq3A_243 = vector.broadcast %eq3A_242 : i32 to vector<1x1664xi32>
    %eq3A_244 = arith.cmpi eq, %select_n3A, %eq3A_243 : vector<1x1664xi32>
    %jit3A_245 = arith.constant 0.000000e+00 : f32
    %broadcast_in_dim3A_246 = vector.shape_cast %slice3A_241 : vector<1x1xf32> to vector<1x1xf32>
    %broadcast_in_dim3A_247 = vector.broadcast %broadcast_in_dim3A_246 : vector<1x1xf32> to vector<1x1664xf32>
    %broadcast_in_dim3A_248 = vector.broadcast %jit3A_245 : f32 to vector<1x1664xf32>
    %select_n3A_249 = arith.select %eq3A_244, %broadcast_in_dim3A_247, %broadcast_in_dim3A_248 : vector<1x1664xi1>, vector<1x1664xf32>
    %add3A_250 = arith.addf %add3A_240, %select_n3A_249 : vector<1x1664xf32>
    %slice3A_251 = vector.extract_strided_slice %div3A_6 {offsets = [0, 22], sizes = [1, 1], strides = [1, 1]} : vector<1x128xf32> to vector<1x1xf32>
    %eq3A_252 = arith.constant 22 : i32
    %eq3A_253 = vector.broadcast %eq3A_252 : i32 to vector<1x1664xi32>
    %eq3A_254 = arith.cmpi eq, %select_n3A, %eq3A_253 : vector<1x1664xi32>
    %jit3A_255 = arith.constant 0.000000e+00 : f32
    %broadcast_in_dim3A_256 = vector.shape_cast %slice3A_251 : vector<1x1xf32> to vector<1x1xf32>
    %broadcast_in_dim3A_257 = vector.broadcast %broadcast_in_dim3A_256 : vector<1x1xf32> to vector<1x1664xf32>
    %broadcast_in_dim3A_258 = vector.broadcast %jit3A_255 : f32 to vector<1x1664xf32>
    %select_n3A_259 = arith.select %eq3A_254, %broadcast_in_dim3A_257, %broadcast_in_dim3A_258 : vector<1x1664xi1>, vector<1x1664xf32>
    %add3A_260 = arith.addf %add3A_250, %select_n3A_259 : vector<1x1664xf32>
    %slice3A_261 = vector.extract_strided_slice %div3A_6 {offsets = [0, 23], sizes = [1, 1], strides = [1, 1]} : vector<1x128xf32> to vector<1x1xf32>
    %eq3A_262 = arith.constant 23 : i32
    %eq3A_263 = vector.broadcast %eq3A_262 : i32 to vector<1x1664xi32>
    %eq3A_264 = arith.cmpi eq, %select_n3A, %eq3A_263 : vector<1x1664xi32>
    %jit3A_265 = arith.constant 0.000000e+00 : f32
    %broadcast_in_dim3A_266 = vector.shape_cast %slice3A_261 : vector<1x1xf32> to vector<1x1xf32>
    %broadcast_in_dim3A_267 = vector.broadcast %broadcast_in_dim3A_266 : vector<1x1xf32> to vector<1x1664xf32>
    %broadcast_in_dim3A_268 = vector.broadcast %jit3A_265 : f32 to vector<1x1664xf32>
    %select_n3A_269 = arith.select %eq3A_264, %broadcast_in_dim3A_267, %broadcast_in_dim3A_268 : vector<1x1664xi1>, vector<1x1664xf32>
    %add3A_270 = arith.addf %add3A_260, %select_n3A_269 : vector<1x1664xf32>
    %slice3A_271 = vector.extract_strided_slice %div3A_6 {offsets = [0, 24], sizes = [1, 1], strides = [1, 1]} : vector<1x128xf32> to vector<1x1xf32>
    %eq3A_272 = arith.constant 24 : i32
    %eq3A_273 = vector.broadcast %eq3A_272 : i32 to vector<1x1664xi32>
    %eq3A_274 = arith.cmpi eq, %select_n3A, %eq3A_273 : vector<1x1664xi32>
    %jit3A_275 = arith.constant 0.000000e+00 : f32
    %broadcast_in_dim3A_276 = vector.shape_cast %slice3A_271 : vector<1x1xf32> to vector<1x1xf32>
    %broadcast_in_dim3A_277 = vector.broadcast %broadcast_in_dim3A_276 : vector<1x1xf32> to vector<1x1664xf32>
    %broadcast_in_dim3A_278 = vector.broadcast %jit3A_275 : f32 to vector<1x1664xf32>
    %select_n3A_279 = arith.select %eq3A_274, %broadcast_in_dim3A_277, %broadcast_in_dim3A_278 : vector<1x1664xi1>, vector<1x1664xf32>
    %add3A_280 = arith.addf %add3A_270, %select_n3A_279 : vector<1x1664xf32>
    %slice3A_281 = vector.extract_strided_slice %div3A_6 {offsets = [0, 25], sizes = [1, 1], strides = [1, 1]} : vector<1x128xf32> to vector<1x1xf32>
    %eq3A_282 = arith.constant 25 : i32
    %eq3A_283 = vector.broadcast %eq3A_282 : i32 to vector<1x1664xi32>
    %eq3A_284 = arith.cmpi eq, %select_n3A, %eq3A_283 : vector<1x1664xi32>
    %jit3A_285 = arith.constant 0.000000e+00 : f32
    %broadcast_in_dim3A_286 = vector.shape_cast %slice3A_281 : vector<1x1xf32> to vector<1x1xf32>
    %broadcast_in_dim3A_287 = vector.broadcast %broadcast_in_dim3A_286 : vector<1x1xf32> to vector<1x1664xf32>
    %broadcast_in_dim3A_288 = vector.broadcast %jit3A_285 : f32 to vector<1x1664xf32>
    %select_n3A_289 = arith.select %eq3A_284, %broadcast_in_dim3A_287, %broadcast_in_dim3A_288 : vector<1x1664xi1>, vector<1x1664xf32>
    %add3A_290 = arith.addf %add3A_280, %select_n3A_289 : vector<1x1664xf32>
    %get3A_291 = arith.constant 0 : index
    %get3A_292 = arith.constant 0 : index
    %get3A_293 = vector.load %arg2[%get3A_291, %get3A_292] : memref<256x1664xf32, #tpu.memory_space<vmem>>, vector<256x1664xf32>
    %mul3A = vector.broadcast %add3A_290 : vector<1x1664xf32> to vector<256x1664xf32>
    %mul3A_294 = arith.mulf %get3A_293, %mul3A : vector<256x1664xf32>
    %convert_element_type3A = arith.truncf %mul3A_294 : vector<256x1664xf32> to vector<256x1664xbf16>
    %reshape3A = vector.shape_cast %convert_element_type3A : vector<256x1664xbf16> to vector<256x26x64xbf16>
    %dot_general3A = arith.constant dense<0.000000e+00> : vector<256x26x26xf32>
    %dot_general3A_295 = tpu.matmul %reshape3A, %reshape3A, %dot_general3A {dimension_numbers = #tpu.dot_dimension_numbers<[2], [2], [1], [1], [0, 0, 0, 1, 1, 1], [0], [0]>, transpose_lhs_hint = false} : vector<256x26x64xbf16>, vector<256x26x64xbf16>, vector<256x26x26xf32> -> vector<256x26x26xf32>
    %reshape3A_296 = vector.shape_cast %dot_general3A_295 : vector<256x26x26xf32> to vector<256x676xf32>
    %convert_element_type3A_297 = arith.truncf %reshape3A_296 : vector<256x676xf32> to vector<256x676xbf16>
    %get3A_298 = arith.constant 0 : index
    %get3A_299 = arith.constant 0 : index
    %get3A_300 = vector.load %arg3[%get3A_298, %get3A_299] : memref<1664x1024xbf16, #tpu.memory_space<vmem>>, vector<1664x1024xbf16>
    %dot_general3A_301 = arith.constant dense<0.000000e+00> : vector<256x1024xf32>
    %dot_general3A_302 = tpu.matmul %convert_element_type3A, %get3A_300, %dot_general3A_301 {dimension_numbers = #tpu.dot_dimension_numbers<[1], [0], [0], [1], [0, 0, 1, 1], [], []>, transpose_lhs_hint = false} : vector<256x1664xbf16>, vector<1664x1024xbf16>, vector<256x1024xf32> -> vector<256x1024xf32>
    %get3A_303 = arith.constant 0 : index
    %get3A_304 = arith.constant 0 : index
    %get3A_305 = vector.load %arg4[%get3A_303, %get3A_304] : memref<676x1024xbf16, #tpu.memory_space<vmem>>, vector<676x1024xbf16>
    %dot_general3A_306 = arith.constant dense<0.000000e+00> : vector<256x1024xf32>
    %dot_general3A_307 = tpu.matmul %convert_element_type3A_297, %get3A_305, %dot_general3A_306 {dimension_numbers = #tpu.dot_dimension_numbers<[1], [0], [0], [1], [0, 0, 1, 1], [], []>, transpose_lhs_hint = false} : vector<256x676xbf16>, vector<676x1024xbf16>, vector<256x1024xf32> -> vector<256x1024xf32>
    %add3A_308 = arith.addf %dot_general3A_302, %dot_general3A_307 : vector<256x1024xf32>
    %get3A_309 = arith.constant 0 : index
    %get3A_310 = arith.constant 0 : index
    %get3A_311 = vector.load %arg5[%get3A_309, %get3A_310] : memref<1x1024xf32, #tpu.memory_space<vmem>>, vector<1x1024xf32>
    %add3A_312 = vector.broadcast %get3A_311 : vector<1x1024xf32> to vector<256x1024xf32>
    %add3A_313 = arith.addf %add3A_308, %add3A_312 : vector<256x1024xf32>
    %max3A = arith.constant 0.000000e+00 : f32
    %max3A_314 = vector.broadcast %max3A : f32 to vector<256x1024xf32>
    %max3A_315 = arith.maximumf %add3A_313, %max3A_314 : vector<256x1024xf32>
    %convert_element_type3A_316 = arith.truncf %max3A_315 : vector<256x1024xf32> to vector<256x1024xbf16>
    %get3A_317 = arith.constant 0 : index
    %get3A_318 = arith.constant 0 : index
    %get3A_319 = vector.load %arg6[%get3A_317, %get3A_318] : memref<1024x512xbf16, #tpu.memory_space<vmem>>, vector<1024x512xbf16>
    %dot_general3A_320 = arith.constant dense<0.000000e+00> : vector<256x512xf32>
    %dot_general3A_321 = tpu.matmul %convert_element_type3A_316, %get3A_319, %dot_general3A_320 {dimension_numbers = #tpu.dot_dimension_numbers<[1], [0], [0], [1], [0, 0, 1, 1], [], []>, transpose_lhs_hint = false} : vector<256x1024xbf16>, vector<1024x512xbf16>, vector<256x512xf32> -> vector<256x512xf32>
    %get3A_322 = arith.constant 0 : index
    %get3A_323 = arith.constant 0 : index
    %get3A_324 = vector.load %arg7[%get3A_322, %get3A_323] : memref<1x512xf32, #tpu.memory_space<vmem>>, vector<1x512xf32>
    %add3A_325 = vector.broadcast %get3A_324 : vector<1x512xf32> to vector<256x512xf32>
    %add3A_326 = arith.addf %dot_general3A_321, %add3A_325 : vector<256x512xf32>
    %max3A_327 = arith.constant 0.000000e+00 : f32
    %max3A_328 = vector.broadcast %max3A_327 : f32 to vector<256x512xf32>
    %max3A_329 = arith.maximumf %add3A_326, %max3A_328 : vector<256x512xf32>
    %convert_element_type3A_330 = arith.truncf %max3A_329 : vector<256x512xf32> to vector<256x512xbf16>
    %get3A_331 = arith.constant 0 : index
    %get3A_332 = arith.constant 0 : index
    %get3A_333 = vector.load %arg8[%get3A_331, %get3A_332] : memref<512x256xbf16, #tpu.memory_space<vmem>>, vector<512x256xbf16>
    %dot_general3A_334 = arith.constant dense<0.000000e+00> : vector<256x256xf32>
    %dot_general3A_335 = tpu.matmul %convert_element_type3A_330, %get3A_333, %dot_general3A_334 {dimension_numbers = #tpu.dot_dimension_numbers<[1], [0], [0], [1], [0, 0, 1, 1], [], []>, transpose_lhs_hint = false} : vector<256x512xbf16>, vector<512x256xbf16>, vector<256x256xf32> -> vector<256x256xf32>
    %get3A_336 = arith.constant 0 : index
    %get3A_337 = arith.constant 0 : index
    %get3A_338 = vector.load %arg9[%get3A_336, %get3A_337] : memref<1x256xf32, #tpu.memory_space<vmem>>, vector<1x256xf32>
    %add3A_339 = vector.broadcast %get3A_338 : vector<1x256xf32> to vector<256x256xf32>
    %add3A_340 = arith.addf %dot_general3A_335, %add3A_339 : vector<256x256xf32>
    %max3A_341 = arith.constant 0.000000e+00 : f32
    %max3A_342 = vector.broadcast %max3A_341 : f32 to vector<256x256xf32>
    %max3A_343 = arith.maximumf %add3A_340, %max3A_342 : vector<256x256xf32>
    %get3A_344 = arith.constant 0 : index
    %get3A_345 = arith.constant 0 : index
    %get3A_346 = vector.load %arg10[%get3A_344, %get3A_345] : memref<1x256xf32, #tpu.memory_space<vmem>>, vector<1x256xf32>
    %mul3A_347 = vector.broadcast %get3A_346 : vector<1x256xf32> to vector<256x256xf32>
    %mul3A_348 = arith.mulf %max3A_343, %mul3A_347 : vector<256x256xf32>
    %reduce_sum3A_349 = arith.constant dense<0.000000e+00> : vector<256xf32>
    %reduce_sum3A_350 = vector.multi_reduction <add>, %mul3A_348, %reduce_sum3A_349 [1] : vector<256x256xf32> to vector<256xf32>
    %broadcast_in_dim3A_351 = vector.shape_cast %reduce_sum3A_350 : vector<256xf32> to vector<256x1xf32>
    %get3A_352 = arith.constant 0 : index
    %get3A_353 = arith.constant 0 : index
    %get3A_354 = vector.load %arg11[%get3A_352, %get3A_353] : memref<1x1xf32, #tpu.memory_space<vmem>>, vector<1x1xf32>
    %add3A_355 = vector.broadcast %get3A_354 : vector<1x1xf32> to vector<256x1xf32>
    %add3A_356 = arith.addf %broadcast_in_dim3A_351, %add3A_355 : vector<256x1xf32>
    %swap3A = arith.constant 0 : index
    %swap3A_357 = arith.constant 0 : index
    %swap3A_358 = vector.load %arg12[%swap3A, %swap3A_357] : memref<256x1xf32, #tpu.memory_space<vmem>>, vector<256x1xf32>
    tpu.vector_store %arg12[%swap3A, %swap3A_357], %add3A_356 {strides = array<i32>} : memref<256x1xf32, #tpu.memory_space<vmem>>, vector<256x1xf32>,
    return
  }
  func.func @transform_0(%arg0: i32) -> (i32, i32) {
    %c0_i32 = arith.constant 0 : i32
    %c0_i32_0 = arith.constant 0 : i32
    %c0_i32_1 = arith.constant 0 : i32
    return %c0_i32, %c0_i32_0 : i32, i32
  }
  func.func @transform_1(%arg0: i32) -> (i32, i32) {
    %c0_i32 = arith.constant 0 : i32
    %c0_i32_0 = arith.constant 0 : i32
    return %arg0, %c0_i32 : i32, i32
  }
  func.func @transform_2(%arg0: i32) -> (i32, i32) {
    %c0_i32 = arith.constant 0 : i32
    %c0_i32_0 = arith.constant 0 : i32
    %c0_i32_1 = arith.constant 0 : i32
    return %c0_i32, %c0_i32_0 : i32, i32
  }
  func.func @transform_3(%arg0: i32) -> (i32, i32) {
    %c0_i32 = arith.constant 0 : i32
    %c0_i32_0 = arith.constant 0 : i32
    %c0_i32_1 = arith.constant 0 : i32
    return %c0_i32, %c0_i32_0 : i32, i32
  }
  func.func @transform_4(%arg0: i32) -> (i32, i32) {
    %c0_i32 = arith.constant 0 : i32
    %c0_i32_0 = arith.constant 0 : i32
    %c0_i32_1 = arith.constant 0 : i32
    return %c0_i32, %c0_i32_0 : i32, i32
  }
  func.func @transform_5(%arg0: i32) -> (i32, i32) {
    %c0_i32 = arith.constant 0 : i32
    %c0_i32_0 = arith.constant 0 : i32
    %c0_i32_1 = arith.constant 0 : i32
    return %c0_i32, %c0_i32_0 : i32, i32
  }
  func.func @transform_6(%arg0: i32) -> (i32, i32) {
    %c0_i32 = arith.constant 0 : i32
    %c0_i32_0 = arith.constant 0 : i32
    %c0_i32_1 = arith.constant 0 : i32
    return %c0_i32, %c0_i32_0 : i32, i32
  }
  func.func @transform_7(%arg0: i32) -> (i32, i32) {
    %c0_i32 = arith.constant 0 : i32
    %c0_i32_0 = arith.constant 0 : i32
    %c0_i32_1 = arith.constant 0 : i32
    return %c0_i32, %c0_i32_0 : i32, i32
  }
  func.func @transform_8(%arg0: i32) -> (i32, i32) {
    %c0_i32 = arith.constant 0 : i32
    %c0_i32_0 = arith.constant 0 : i32
    %c0_i32_1 = arith.constant 0 : i32
    return %c0_i32, %c0_i32_0 : i32, i32
  }
  func.func @transform_9(%arg0: i32) -> (i32, i32) {
    %c0_i32 = arith.constant 0 : i32
    %c0_i32_0 = arith.constant 0 : i32
    %c0_i32_1 = arith.constant 0 : i32
    return %c0_i32, %c0_i32_0 : i32, i32
  }
  func.func @transform_10(%arg0: i32) -> (i32, i32) {
    %c0_i32 = arith.constant 0 : i32
    %c0_i32_0 = arith.constant 0 : i32
    %c0_i32_1 = arith.constant 0 : i32
    return %c0_i32, %c0_i32_0 : i32, i32
  }
  func.func @transform_11(%arg0: i32) -> (i32, i32) {
    %c0_i32 = arith.constant 0 : i32
    %c0_i32_0 = arith.constant 0 : i32
    return %arg0, %c0_i32 : i32, i32
  }
}

</mosaic_0001>

<sc_bundles>
// kernel: kernel.4.cloned.1.call-start
scs
__scs_entry_jumppad:
0x0: {  	(pc) =	sbr.rel $0x88, $3  }
0x1: {  	(tag) =	ssettag $0x0;
	lr =	simm.s32 $0x1  }
0x2: {  	[smem:$0x3F95] =	sst lr;
	_ =	strace $0xD0000000  }
0x3: {  	_ = 	snop  }
0x4: {  	_ = 	snop  }
0x5: {  	_ = 	snop  }
0x6: {  	_ = 	snop  }
0x7: {  	_ = 	snop  }
__scs_overlays_trampoline_lowered:
0x8: {  	[smem:$0x3FA4] =	sst s0  }
0x9: {  	[smem:$0x3FA5] =	sst s1  }
0xa: {  	[smem:$0x3FA6] =	sst s2  }
0xb: {  	[smem:$0x3FA7] =	sst s3  }
0xc: {  	[smem:$0x3FA8] =	sst s4  }
0xd: {  	[smem:$0x3FA9] =	sst s5  }
0xe: {  	[smem:$0x3FAA] =	sst s6  }
0xf: {  	[smem:$0x3FAB] =	sst s7  }
0x10: {  	[smem:$0x3FAC] =	sst s8  }
0x11: {  	[smem:$0x3FAD] =	sst s9;
	s0 =	simm.s32 @!p0 $0x0  }
0x12: {  	s1 =	sld [smem:$0x3F93];
	s0 =	simm.s32 @p0 $0x1  }
0x13: {  	[smem:$0x3FAE] =	sst s0;
	s0 =	simm.s32 @!p1 $0x0  }
0x14: {  	s2 =	sld [smem:$0x3F92];
	s0 =	simm.s32 @p1 $0x1  }
0x15: {  	[smem:$0x3FAF] =	sst s0;
	s0 =	simm.s32 @!p2 $0x0  }
0x16: {  	s3 =	sld [smem:$0x3FDB];
	s0 =	simm.s32 @p2 $0x1  }
0x17: {  	s4 =	simm.s32 $0x1BF5;
	[smem:$0x3FB1] =	sst s0  }
0x18: {  	s0 =	sld [smem:$0x3F94];
	_ =	swait.ge [sflag:s4], $0x0  }
0x19: {  	s7 =	sld [smem:$0x3F95]  }
0x1a: {  	s8 =	sadd.s32 $0xFFFFE003, lr  }
0x1b: {  	s9 =	sadd.s32 $0xFFFFFEF7, lr;
	s5 =	simm.s32 $0xFFFFFFFF;
	p2 =	slt.u32 s8, $0xFFFFF086  }
0x1c: {  	p1 =	slt.u32 s9, $0xF7A;
	s5 =	simm.s32 @!p2 $0x0  }
0x1d: {  	s5 =	simm.s32 @p1 $0x1;
	p0 =	seq.s32 s7, s2  }
0x1e: {  	s7 =	smul.u32 @!p0 $0xF7A, s2;
	p2 =	seq.s32 @!p0 s5, $0x0  }
0x1f: {  	s9 =	smul.u32 $0xF7A, s1;
	s8 =	simm.s32 @!p0 $0x1BF5;
	p2 =	por !p2, p0  }
0x20: {  	[sflag:s8] =	ssyncset.s32 @!p0 $0xFFFFF086;
	s6 =	sadd.s32 @!p0 s3, s7;
	s7 =	simm.s32 @!p0 $0x108  }
0x21: {  	s3 =	sadd.s32 s3, s9;
	s6 =	sadd.s32 @!p0 $0x88, s6;
	s7 =	simm.s32 @p2 $0x1082  }
0x22: {  	[simem:s7], [sflag:s8] =	dma.local @!p0 [hbm:s6], $0xF7A  }
0x23: {  	s9 =	sor.u32 $0xD0000000, s2;
	s6 =	simm.s32 $0x108;
	_ =	swait.ge @!p0 [sflag:s8], $0x0  }
0x24: {  	s3 =	sadd.s32 $0x88, s3;
	s6 =	simm.s32 @!p1 $0x1082;
	[sflag:s4] =	ssyncset.s32 $0xFFFFF086  }
0x25: {  	[simem:s6], [sflag:s4] =	dma.local [hbm:s3], $0xF7A  }
0x26: {  	[smem:$0x3F95] =	sst s1;
	(tag) =	ssettag s2;
	_ =	strace s9  }
0x27: {  	s1 =	sld [smem:$0x3FA5]  }
0x28: {  	s2 =	sld [smem:$0x3FA6]  }
0x29: {  	s4 =	sld [smem:$0x3FA8]  }
0x2a: {  	p0 =	seq.s32 s5, $0x0;
	s5 =	sld [smem:$0x3FA9]  }
0x2b: {  	s6 =	sld [smem:$0x3FAA]  }
0x2c: {  	s7 =	sld [smem:$0x3FAB]  }
0x2d: {  	s3 =	simm.s32 $0x108;
	s8 =	sld [smem:$0x3FAC]  }
0x2e: {  	s3 =	simm.s32 @!p0 $0x1082;
	s9 =	sld [smem:$0x3FAD]  }
0x2f: {  	lr =	sadd.s32 s0, s3;
	s0 =	sld [smem:$0x3FA4]  }
0x30: {  	s3 =	sld [smem:$0x3FA7]  }
0x31: {  	[smem:$0x3FB0] =	sst s10  }
0x32: {  	s10 =	sld [smem:$0x3FAE];
	_ =	sdelay $0x3  }
0x33: {  	p0 =	seq.s32 s10, $0x1;
	s10 =	sld [smem:$0x3FB0];
	_ =	sdelay $0x3  }
0x34: {  	[smem:$0x3FB0] =	sst s10  }
0x35: {  	s10 =	sld [smem:$0x3FAF];
	_ =	sdelay $0x3  }
0x36: {  	p1 =	seq.s32 s10, $0x1;
	s10 =	sld [smem:$0x3FB0];
	_ =	sdelay $0x3  }
0x37: {  	[smem:$0x3FB0] =	sst s10  }
0x38: {  	s10 =	sld [smem:$0x3FB1]  }
0x39: {  	_ = 	snop;
	(pc) =	sbr.ind lr, $3  }
0x3a: {  	_ = 	snop  }
0x3b: {  	_ = 	snop  }
0x3c: {  	p2 =	seq.s32 s10, $0x1;
	s10 =	sld [smem:$0x3FB0]  }
0x3d: {  	_ =	shalt  }
0x3e: {  	_ =	shalt  }
0x3f: {  	_ =	shalt  }
0x40: {  	_ =	shalt  }
0x41: {  	_ =	shalt  }
0x42: {  	_ =	shalt  }
0x43: {  	_ =	shalt  }
0x44: {  	_ =	shalt  }
0x45: {  	_ =	shalt  }
0x46: {  	_ =	shalt  }
0x47: {  	_ =	shalt  }
0x48: {  	_ =	shalt  }
0x49: {  	_ =	shalt  }
0x4a: {  	_ =	shalt  }
0x4b: {  	_ =	shalt  }
0x4c: {  	_ =	shalt  }
0x4d: {  	_ =	shalt  }
0x4e: {  	_ =	shalt  }
0x4f: {  	_ =	shalt  }
0x50: {  	_ =	shalt  }
0x51: {  	_ =	shalt  }
0x52: {  	_ =	shalt  }
0x53: {  	_ =	shalt  }
0x54: {  	_ =	shalt  }
0x55: {  	_ =	shalt  }
0x56: {  	_ =	shalt  }
0x57: {  	_ =	shalt  }
0x58: {  	_ =	shalt  }
0x59: {  	_ =	shalt  }
0x5a: {  	_ =	shalt  }
0x5b: {  	_ =	shalt  }
0x5c: {  	_ =	shalt  }
0x5d: {  	_ =	shalt  }
0x5e: {  	_ =	shalt  }
0x5f: {  	_ =	shalt  }
0x60: {  	_ =	shalt  }
0x61: {  	_ =	shalt  }
0x62: {  	_ =	shalt  }
0x63: {  	_ =	shalt  }
0x64: {  	_ =	shalt  }
0x65: {  	_ =	shalt  }
0x66: {  	_ =	shalt  }
0x67: {  	_ =	shalt  }
0x68: {  	_ =	shalt  }
0x69: {  	_ =	shalt  }
0x6a: {  	_ =	shalt  }
0x6b: {  	_ =	shalt  }
0x6c: {  	_ =	shalt  }
0x6d: {  	_ =	shalt  }
0x6e: {  	_ =	shalt  }
0x6f: {  	_ =	shalt  }
0x70: {  	_ =	shalt  }
0x71: {  	_ =	shalt  }
0x72: {  	_ =	shalt  }
0x73: {  	_ =	shalt  }
0x74: {  	_ =	shalt  }
0x75: {  	_ =	shalt  }
0x76: {  	_ =	shalt  }
0x77: {  	_ =	shalt  }
0x78: {  	_ =	shalt  }
0x79: {  	_ =	shalt  }
0x7a: {  	_ =	shalt  }
0x7b: {  	_ =	shalt  }
0x7c: {  	_ =	shalt  }
0x7d: {  	_ =	shalt  }
0x7e: {  	_ =	shalt  }
0x7f: {  	_ =	shalt  }
0x80: {  	_ =	shalt  }
0x81: {  	_ =	shalt  }
0x82: {  	_ =	shalt  }
0x83: {  	_ =	shalt  }
0x84: {  	_ =	shalt  }
0x85: {  	_ =	shalt  }
0x86: {  	_ =	shalt  }
0x87: {  	_ =	shalt  }
.Lfunc_end0:
.L_simem_size_0:
called_computation_lowered:
.L_overlay_start_0:
0x88: {  	s2 =	sld [smem:$0x3FD9]  }
0x89: {  	s3 =	sld [smem:$0x3FFE];
	_ =	sdelay $0x1  }
0x8a: {  	s1 =	srdreg.scid  }
0x8b: {  	s0 =	sand.u32 $0x1, s1  }
0x8c: {  	s16 =	sshll.u32 s0, $0xA;
	s2 =	sadd.s32 s3, s2  }
0x8d: {  	s2 =	sadd.s32 s2, s16  }
0x8e: {  	[smem:$0x3FBC] =	sst s2  }
0x8f: {  	_ = 	snop  }
0x90: {  	(tm) =	ssettm $0x1  }
0x91: {  	s17 =	sld [smem:$0x3FFB];
	_ =	sdelay $0x3  }
0x92: {  	_ =	strace s17  }
0x93: {  	s2 =	sld [smem:$0x3FFC];
	_ =	sdelay $0x3  }
0x94: {  	_ =	strace s2  }
0x95: {  	s2 =	sld [smem:$0x3FFD];
	_ =	sdelay $0x3  }
0x96: {  	_ =	strace s2  }
0x97: {  	_ =	strace $0x8FFFFFFF  }
0x98: {  	s18 =	sld [smem:$0x3FDB];
	_ =	sdelay $0x1  }
0x99: {  	s19 =	simm.s32 $_scs_section_size  }
0x9a: {  	s4 =	simm.s32 $_size__tile_overlayer_lowered;
	s5 =	simm.s32 $_tile_overlayer_lowered  }
0x9b: {  	s22 =	simm.s32 $0x1BFF;
	s21 =	sshll.u32 s5, $0x1;
	s2 =	sadd.s32 s19, s18  }
0x9c: {  	s6 =	simm.s32 $0x0;
	s20 =	sshll.u32 s4, $0x1;
	s4 =	sadd.s32 s21, s2  }
0x9d: {  	[timem:s6], [sflag:s22] =	dma.local [hbm:s4], s20  }
0x9e: {  	_ =	swait.ge [sflag:s22], s20  }
0x9f: {  	s3 =	ssub.s32 $0x0, s20;
	[sflag:s22] =	ssyncset.done $0x0  }
0xa0: {  	[sflag:s22] =	ssyncadd.s32 s3;
	_ =	sdelay $0x1  }
0xa1: {  	s23 =	simm.s32 $0x1B8B  }
0xa2: {  	_ =	swait.ge [sflag:s23], $0x1  }
0xa3: {  	[sflag:s23] =	ssyncset.done $0x0  }
0xa4: {  	s25 =	simm.s32 $0x1B8E;
	s24 =	sld [smem:$0x3FFE];
	[sflag:s23] =	ssyncadd.s32 $0xFFFFFFFF  }
0xa5: {  	s26 =	simm.s32 $execute0_lowered;
	[smem:$0x3FD2] =	sst s25  }
0xa6: {  	s4 =	sshll.u32 s26, $0x1;
	_ =	strace $0x80000046;
	[dreg:$0x1] =	wrdreg $0xFFFFFFFF  }
0xa7: {  	s28 =	simm.s32 $_size_execute0_lowered;
	s2 =	sadd.s32 s2, s4;
	[dreg:$0x0] =	wrdreg $0x0  }
0xa8: {  	s4 =	sshll.u32 s28, $0x1;
	[dreg:$0x2] =	wrdreg s2  }
0xa9: {  	[dreg:$0x3] =	wrdreg s4  }
0xaa: {  	[dreg:$0x4] =	wrdreg $0xC0  }
0xab: {  	_ =	task [dreg:s6], $0x5FFFF  }
0xac: {  	[dreg:$0x1] =	wrdreg $0xFFFFFFFF  }
0xad: {  	[dreg:$0x0] =	wrdreg $0x60  }
0xae: {  	[dreg:$0x2] =	wrdreg s24  }
0xaf: {  	[dreg:$0x3] =	wrdreg $0x9  }
0xb0: {  	_ =	task.clear_ibuf [dreg:s6], $0x4FFFF;
	_ =	strace $0x90000046  }
0xb1: {  	s29 =	simm.s32 $0x9;
	_ =	strace $0x80000048  }
0xb2: {  	_ =	swait.ge [sflag:s29], $0x1  }
0xb3: {  	[sflag:s29] =	ssyncadd.s32 $0xFFFFFFFF  }
0xb4: {  	_ =	strace $0x90000048  }
0xb5: {  	_ =	sfence  }
0xb6: {  	s30 =	sld [smem:$0x0];
	_ =	sdelay $0x2  }
0xb7: {  	s31 =	sshll.u32 s1, $0xD;
	s1 =	sshrl.u32 s1, $0x2  }
0xb8: {  	s3 =	sand.u32 $0x4000, s31;
	s1 =	sadd.s32 s1, s30  }
0xb9: {  	s0 =	sor.u32 s3, s0;
	s1 =	sshll.u32 s1, $0x11  }
0xba: {  	s0 =	sor.u32 s1, s0  }
0xbb: {  	s0 =	sadd.s32 $0x8F2B, s0  }
0xbc: {  	[sflag:s0] =	ssyncadd.remote.s32 $0x1  }
0xbd: {  	_ =	sfence.sel $0xFFFF  }
0xbe: {  	[dreg:$0x0] =	wrdreg $0xFFFFFFFF;
	(pc) =	sbr.abs _section_cstart, $3  }
0xbf: {  	[dreg:$0x1] =	wrdreg $0xFFFFFFFF  }
0xc0: {  	_ =	task.clear_ibuf [dreg:s6], $0x2FFFF;
	_ =	strace $0x9FFFFFFF  }
0xc1: {  	(tm) =	ssettm $0x7FFFFFFF  }
tec
execute0_lowered:
.L_overlay_start_1:
0x0: {  	(tag) =	ssettag $0x1  }
0x1: {  	s0 =	srdreg.scid  }
0x2: {  	s20 =	stileid.u32;
	s3 =	rddreg [dreg:$0x0]  }
0x3: {  	s2 =	simm.s32 $0x0;
	s13 =	simm.s32 $0x100;
	s14 =	simm.s32 $0x180  }
0x4: {  	s8 =	simm.s32 $0x2D00;
	s15 =	simm.s32 $0x200;
	s9 =	simm.s32 $0x4D00  }
0x5: {  	s16 =	simm.s32 $0x280;
	s10 =	simm.s32 $0x6D00;
	s17 =	simm.s32 $0x300  }
0x6: {  	s18 =	simm.s32 $0x380;
	s19 =	simm.s32 $0x400;
	[smem:$0x7FF] =	sst s2  }
0x7: {  	s21 =	simm.s32 $0x480;
	_ =	strace $0x80000047;
	[dreg:$0x5] =	wrdreg s13  }
0x8: {  	s22 =	simm.s32 $0x500;
	s23 =	simm.s32 $0x580;
	[dreg:$0x6] =	wrdreg s14  }
0x9: {  	s24 =	simm.s32 $0x600;
	s25 =	simm.s32 $0x680;
	[dreg:$0x7] =	wrdreg s15  }
0xa: {  	s26 =	simm.s32 $0x700;
	p0 =	por $0x0, $0x0;
	[dreg:$0x8] =	wrdreg s16  }
0xb: {  	s28 =	simm.s32 $0xA80;
	s29 =	simm.s32 $0xB00;
	[dreg:$0x9] =	wrdreg s17  }
0xc: {  	s30 =	simm.s32 $0xB80;
	s31 =	simm.s32 $0xC00;
	[dreg:$0xa] =	wrdreg s18  }
0xd: {  	s0 =	sand.u32 $0x1, s0;
	s1 =	sshll.u32 s20, $0x1;
	[dreg:$0xb] =	wrdreg s19  }
0xe: {  	s6 =	sadd.s32 $0x37000, s3;
	s1 =	sor.u32 s0, s1;
	[dreg:$0xc] =	wrdreg s21  }
0xf: {  	s0 =	ssub.s32 $0x2, s0;
	s13 =	simm.s32 $0xCD00;
	[dreg:$0xd] =	wrdreg s22  }
0x10: {  	s14 =	simm.s32 $0xED00;
	s15 =	simm.s32 $0x10D00;
	[dreg:$0xe] =	wrdreg s23  }
0x11: {  	s16 =	simm.s32 $0x12D00;
	s17 =	simm.s32 $0x14D00;
	[dreg:$0xf] =	wrdreg s24  }
0x12: {  	s18 =	simm.s32 $0x16D00;
	[dreg:$0x10] =	wrdreg s25;
	s19 =	simm.s32 $0x18D00  }
0x13: {  	[dreg:$0x11] =	wrdreg s26;
	s22 =	simm.s32 $0x800;
	s23 =	simm.s32 $0x880  }
0x14: {  	s24 =	simm.s32 $0x900;
	s25 =	simm.s32 $0x980;
	s4 =	smul.u32 $0x1A0, s1  }
0x15: {  	s26 =	simm.s32 $0xA00;
	s5 =	smul.u32 $0x34000, s1;
	s7 =	sshrl.u32 s0, $0x1  }
0x16: {  	s21 =	simm.s32 $0xC80;
	s1 =	smul.u32 $0x6800, s1;
	s0 =	ssub.s32 s0, s7  }
0x17: {  	s7 =	simm.s32 $0x80;
	s4 =	sadd.s32 s4, s3;
	s0 =	smax.u32 s0, $0x1  }
0x18: {  	s5 =	sshrl.u32 s5, $0x3;
	s1 =	sadd.s32 s6, s1;
	p1 =	sne.s32 s0, $0x1  }
.Ltmp0:
0x19: {  	s4 =	sadd.s32 $0x33C00, s4;
	s11 =	sadd.s32 s6, s5;
	(pc) =	sbr.rel @!p1 .LBB2_1-.Ltmp0, $4  }
0x1a: {  	[dreg:$0x3] =	wrdreg s1;
	s5 =	sadd.s32 $0xE00, s3;
	s3 =	simm.s32 $0x2  }
0x1b: {  	s6 =	simm.s32 $0x1;
	[dreg:$0x2] =	wrdreg s4;
	s12 =	sadd.s32 $0x3400, s11  }
0x1c: {  	s1 =	sadd.s32 $0xFFFFFFFF, s0;
	s4 =	simm.s32 $0xD00;
	[dreg:$0x4] =	wrdreg s12  }
0x1d: {  	s11 =	simm.s32 $0x8D00;
	s12 =	simm.s32 $0xAD00;
	s0 =	rddreg [dreg:$0x2]  }
0x1e: {  	[tilespmem:s2], [sflag:$0x2] =	stream.linear.gather [hbm4b:s0+s2], $0xD00, $0x38;
	[tilespmem:$0x1AD00] =	vst v63  }
0x1f: {  	_ =	swait.ge [sflag:s3], $0xD00  }
0x20: {  	[sflag:s3] =	ssyncset.done $0x0  }
0x21: {  	[sflag:s3] =	ssyncadd.s32 $0xFFFFF300  }
0x22: {  	[tilespmem:s4], [sflag:$0x1] =	stream.indirect.gather [hbm4b:s5+s7], $0x40, s2, s7, $0xb8;
	[tilespmem:$0x1AD00] =	vst v63  }
0x23: {  	_ = 	snop  }
0x24: {  	[tilespmem:s8], [sflag:$0x1] =	stream.indirect.gather [hbm4b:s5+s7], $0x40, s7, s7, $0xb8;
	[tilespmem:$0x1AD00] =	vst v63  }
0x25: {  	s0 =	rddreg [dreg:$0x5]  }
0x26: {  	[tilespmem:s9], [sflag:$0x1] =	stream.indirect.gather [hbm4b:s5+s7], $0x40, s0, s7, $0xb8;
	[tilespmem:$0x1AD00] =	vst v63  }
0x27: {  	s20 =	smov.u32 s1;
	s1 =	rddreg [dreg:$0x6]  }
0x28: {  	[tilespmem:s10], [sflag:$0x1] =	stream.indirect.gather [hbm4b:s5+s7], $0x40, s1, s7, $0xb8;
	[tilespmem:$0x1AD00] =	vst v63  }
0x29: {  	s0 =	rddreg [dreg:$0x7]  }
0x2a: {  	[tilespmem:s11], [sflag:$0x1] =	stream.indirect.gather [hbm4b:s5+s7], $0x40, s0, s7, $0xb8;
	[tilespmem:$0x1AD00] =	vst v63  }
0x2b: {  	s1 =	rddreg [dreg:$0x8]  }
0x2c: {  	[tilespmem:s12], [sflag:$0x1] =	stream.indirect.gather [hbm4b:s5+s7], $0x40, s1, s7, $0xb8;
	[tilespmem:$0x1AD00] =	vst v63  }
0x2d: {  	s0 =	rddreg [dreg:$0x9]  }
0x2e: {  	[tilespmem:s13], [sflag:$0x1] =	stream.indirect.gather [hbm4b:s5+s7], $0x40, s0, s7, $0xb8;
	[tilespmem:$0x1AD00] =	vst v63  }
0x2f: {  	s1 =	rddreg [dreg:$0xa]  }
0x30: {  	[tilespmem:s14], [sflag:$0x1] =	stream.indirect.gather [hbm4b:s5+s7], $0x40, s1, s7, $0xb8;
	[tilespmem:$0x1AD00] =	vst v63  }
0x31: {  	s0 =	rddreg [dreg:$0xb]  }
0x32: {  	[tilespmem:s15], [sflag:$0x1] =	stream.indirect.gather [hbm4b:s5+s7], $0x40, s0, s7, $0xb8;
	[tilespmem:$0x1AD00] =	vst v63  }
0x33: {  	s1 =	rddreg [dreg:$0xc]  }
0x34: {  	[tilespmem:s16], [sflag:$0x1] =	stream.indirect.gather [hbm4b:s5+s7], $0x40, s1, s7, $0xb8;
	[tilespmem:$0x1AD00] =	vst v63  }
0x35: {  	s0 =	rddreg [dreg:$0xd]  }
0x36: {  	[tilespmem:s17], [sflag:$0x1] =	stream.indirect.gather [hbm4b:s5+s7], $0x40, s0, s7, $0xb8;
	[tilespmem:$0x1AD00] =	vst v63  }
0x37: {  	s1 =	rddreg [dreg:$0xe]  }
0x38: {  	[tilespmem:s18], [sflag:$0x1] =	stream.indirect.gather [hbm4b:s5+s7], $0x40, s1, s7, $0xb8;
	[tilespmem:$0x1AD00] =	vst v63  }
0x39: {  	s0 =	rddreg [dreg:$0xf]  }
0x3a: {  	[tilespmem:s19], [sflag:$0x1] =	stream.indirect.gather [hbm4b:s5+s7], $0x40, s0, s7, $0xb8;
	[tilespmem:$0x1AD00] =	vst v63  }
0x3b: {  	_ =	swait.ge [sflag:s6], $0x2000  }
0x3c: {  	[sflag:s6] =	ssyncset.done $0x0  }
0x3d: {  	[sflag:s6] =	ssyncadd.s32 $0xFFFFE000  }
0x3e: {  	_ =	swait.ge [sflag:s6], $0x2000  }
0x3f: {  	[sflag:s6] =	ssyncset.done $0x0  }
0x40: {  	[sflag:s6] =	ssyncadd.s32 $0xFFFFE000  }
0x41: {  	_ =	swait.ge [sflag:s6], $0x2000  }
0x42: {  	[sflag:s6] =	ssyncset.done $0x0  }
0x43: {  	[sflag:s6] =	ssyncadd.s32 $0xFFFFE000  }
0x44: {  	_ =	swait.ge [sflag:s6], $0x2000  }
0x45: {  	[sflag:s6] =	ssyncset.done $0x0  }
0x46: {  	[sflag:s6] =	ssyncadd.s32 $0xFFFFE000  }
0x47: {  	_ =	swait.ge [sflag:s6], $0x2000  }
0x48: {  	[sflag:s6] =	ssyncset.done $0x0  }
0x49: {  	[sflag:s6] =	ssyncadd.s32 $0xFFFFE000  }
0x4a: {  	_ =	swait.ge [sflag:s6], $0x2000  }
0x4b: {  	[sflag:s6] =	ssyncset.done $0x0  }
0x4c: {  	[sflag:s6] =	ssyncadd.s32 $0xFFFFE000  }
0x4d: {  	_ =	swait.ge [sflag:s6], $0x2000  }
0x4e: {  	[sflag:s6] =	ssyncset.done $0x0  }
0x4f: {  	[sflag:s6] =	ssyncadd.s32 $0xFFFFE000  }
0x50: {  	_ =	swait.ge [sflag:s6], $0x2000  }
0x51: {  	[sflag:s6] =	ssyncset.done $0x0  }
0x52: {  	[sflag:s6] =	ssyncadd.s32 $0xFFFFE000  }
0x53: {  	_ =	swait.ge [sflag:s6], $0x2000  }
0x54: {  	[sflag:s6] =	ssyncset.done $0x0  }
0x55: {  	[sflag:s6] =	ssyncadd.s32 $0xFFFFE000  }
0x56: {  	_ =	swait.ge [sflag:s6], $0x2000  }
0x57: {  	[sflag:s6] =	ssyncset.done $0x0  }
0x58: {  	[sflag:s6] =	ssyncadd.s32 $0xFFFFE000  }
0x59: {  	_ =	swait.ge [sflag:s6], $0x2000  }
0x5a: {  	[sflag:s6] =	ssyncset.done $0x0  }
0x5b: {  	[sflag:s6] =	ssyncadd.s32 $0xFFFFE000  }
0x5c: {  	_ =	swait.ge [sflag:s6], $0x2000  }
0x5d: {  	[sflag:s6] =	ssyncset.done $0x0  }
0x5e: {  	[sflag:s6] =	ssyncadd.s32 $0xFFFFE000  }
0x5f: {  	_ =	swait.ge [sflag:s6], $0x2000  }
0x60: {  	[sflag:s6] =	ssyncset.done $0x0  }
0x61: {  	s1 =	rddreg [dreg:$0x3];
	[sflag:s6] =	ssyncadd.s32 $0xFFFFE000  }
0x62: {  	[hbm4b:s1+s2] =	stream.linear.scatter [tilespmem:s4], [sflag:$0x2], $0x1A000, $0x38;
	[tilespmem:$0x1AD00] =	vst v63  }
0x63: {  	_ =	swait.ge [sflag:s3], $0x1A000  }
0x64: {  	[sflag:s3] =	ssyncset.done $0x0  }
0x65: {  	s0 =	rddreg [dreg:$0x10];
	[sflag:s3] =	ssyncadd.s32 $0xFFFE6000  }
0x66: {  	[tilespmem:s4], [sflag:$0x1] =	stream.indirect.gather [hbm4b:s5+s7], $0x40, s0, s7, $0xb8;
	[tilespmem:$0x1AD00] =	vst v63  }
0x67: {  	s1 =	rddreg [dreg:$0x11]  }
0x68: {  	[tilespmem:s8], [sflag:$0x1] =	stream.indirect.gather [hbm4b:s5+s7], $0x40, s1, s7, $0xb8;
	[tilespmem:$0x1AD00] =	vst v63  }
0x69: {  	s1 =	simm.s32 $0x780  }
0x6a: {  	[tilespmem:s9], [sflag:$0x1] =	stream.indirect.gather [hbm4b:s5+s7], $0x40, s1, s7, $0xb8;
	[tilespmem:$0x1AD00] =	vst v63  }
0x6b: {  	_ = 	snop  }
0x6c: {  	[tilespmem:s10], [sflag:$0x1] =	stream.indirect.gather [hbm4b:s5+s7], $0x40, s22, s7, $0xb8;
	[tilespmem:$0x1AD00] =	vst v63  }
0x6d: {  	_ = 	snop  }
0x6e: {  	[tilespmem:s11], [sflag:$0x1] =	stream.indirect.gather [hbm4b:s5+s7], $0x40, s23, s7, $0xb8;
	[tilespmem:$0x1AD00] =	vst v63  }
0x6f: {  	_ = 	snop  }
0x70: {  	[tilespmem:s12], [sflag:$0x1] =	stream.indirect.gather [hbm4b:s5+s7], $0x40, s24, s7, $0xb8;
	[tilespmem:$0x1AD00] =	vst v63  }
0x71: {  	_ = 	snop  }
0x72: {  	[tilespmem:s13], [sflag:$0x1] =	stream.indirect.gather [hbm4b:s5+s7], $0x40, s25, s7, $0xb8;
	[tilespmem:$0x1AD00] =	vst v63  }
0x73: {  	_ = 	snop  }
0x74: {  	[tilespmem:s14], [sflag:$0x1] =	stream.indirect.gather [hbm4b:s5+s7], $0x40, s26, s7, $0xb8;
	[tilespmem:$0x1AD00] =	vst v63  }
0x75: {  	_ = 	snop  }
0x76: {  	[tilespmem:s15], [sflag:$0x1] =	stream.indirect.gather [hbm4b:s5+s7], $0x40, s28, s7, $0xb8;
	[tilespmem:$0x1AD00] =	vst v63  }
0x77: {  	_ = 	snop  }
0x78: {  	[tilespmem:s16], [sflag:$0x1] =	stream.indirect.gather [hbm4b:s5+s7], $0x40, s29, s7, $0xb8;
	[tilespmem:$0x1AD00] =	vst v63  }
0x79: {  	_ = 	snop  }
0x7a: {  	[tilespmem:s17], [sflag:$0x1] =	stream.indirect.gather [hbm4b:s5+s7], $0x40, s30, s7, $0xb8;
	[tilespmem:$0x1AD00] =	vst v63  }
0x7b: {  	_ = 	snop  }
0x7c: {  	[tilespmem:s18], [sflag:$0x1] =	stream.indirect.gather [hbm4b:s5+s7], $0x40, s31, s7, $0xb8;
	[tilespmem:$0x1AD00] =	vst v63  }
0x7d: {  	_ = 	snop  }
0x7e: {  	[tilespmem:s19], [sflag:$0x1] =	stream.indirect.gather [hbm4b:s5+s7], $0x40, s21, s7, $0xb8;
	[tilespmem:$0x1AD00] =	vst v63  }
0x7f: {  	_ =	swait.ge [sflag:s6], $0x2000  }
0x80: {  	[sflag:s6] =	ssyncset.done $0x0  }
0x81: {  	[sflag:s6] =	ssyncadd.s32 $0xFFFFE000  }
0x82: {  	_ =	swait.ge [sflag:s6], $0x2000  }
0x83: {  	[sflag:s6] =	ssyncset.done $0x0  }
0x84: {  	[sflag:s6] =	ssyncadd.s32 $0xFFFFE000  }
0x85: {  	_ =	swait.ge [sflag:s6], $0x2000  }
0x86: {  	[sflag:s6] =	ssyncset.done $0x0  }
0x87: {  	[sflag:s6] =	ssyncadd.s32 $0xFFFFE000  }
0x88: {  	_ =	swait.ge [sflag:s6], $0x2000  }
0x89: {  	[sflag:s6] =	ssyncset.done $0x0  }
0x8a: {  	[sflag:s6] =	ssyncadd.s32 $0xFFFFE000  }
0x8b: {  	_ =	swait.ge [sflag:s6], $0x2000  }
0x8c: {  	[sflag:s6] =	ssyncset.done $0x0  }
0x8d: {  	[sflag:s6] =	ssyncadd.s32 $0xFFFFE000  }
0x8e: {  	_ =	swait.ge [sflag:s6], $0x2000  }
0x8f: {  	[sflag:s6] =	ssyncset.done $0x0  }
0x90: {  	[sflag:s6] =	ssyncadd.s32 $0xFFFFE000  }
0x91: {  	_ =	swait.ge [sflag:s6], $0x2000  }
0x92: {  	[sflag:s6] =	ssyncset.done $0x0  }
0x93: {  	[sflag:s6] =	ssyncadd.s32 $0xFFFFE000  }
0x94: {  	_ =	swait.ge [sflag:s6], $0x2000  }
0x95: {  	[sflag:s6] =	ssyncset.done $0x0  }
0x96: {  	[sflag:s6] =	ssyncadd.s32 $0xFFFFE000  }
0x97: {  	_ =	swait.ge [sflag:s6], $0x2000  }
0x98: {  	[sflag:s6] =	ssyncset.done $0x0  }
0x99: {  	[sflag:s6] =	ssyncadd.s32 $0xFFFFE000  }
0x9a: {  	_ =	swait.ge [sflag:s6], $0x2000  }
0x9b: {  	[sflag:s6] =	ssyncset.done $0x0  }
0x9c: {  	[sflag:s6] =	ssyncadd.s32 $0xFFFFE000  }
0x9d: {  	_ =	swait.ge [sflag:s6], $0x2000  }
0x9e: {  	[sflag:s6] =	ssyncset.done $0x0  }
0x9f: {  	[sflag:s6] =	ssyncadd.s32 $0xFFFFE000  }
0xa0: {  	_ =	swait.ge [sflag:s6], $0x2000  }
0xa1: {  	[sflag:s6] =	ssyncset.done $0x0  }
0xa2: {  	[sflag:s6] =	ssyncadd.s32 $0xFFFFE000  }
0xa3: {  	p1 =	sne.s32 s20, $0x1;
	_ =	swait.ge [sflag:s6], $0x2000  }
.Ltmp1:
0xa4: {  	[sflag:s6] =	ssyncset.done $0x0;
	(pc) =	sbr.rel @!p1 .LBB2_3-.Ltmp1, $4  }
0xa5: {  	s1 =	rddreg [dreg:$0x4];
	[sflag:s6] =	ssyncadd.s32 $0xFFFFE000  }
0xa6: {  	[hbm4b:s1+s2] =	stream.linear.scatter [tilespmem:s4], [sflag:$0x2], $0x1A000, $0x38;
	[tilespmem:$0x1AD00] =	vst v63  }
0xa7: {  	p0 =	por $0x1, $0x1;
	_ =	swait.ge [sflag:s3], $0x1A000  }
0xa8: {  	s1 =	sadd.s32 $0xFFFFFFFF, s20;
	s0 =	rddreg [dreg:$0x2];
	[sflag:s3] =	ssyncset.done $0x0  }
.LBB2_4:
0xa9: {  	[sflag:s3] =	ssyncadd.s32 $0xFFFE6000  }
0xaa: {  	[tilespmem:s2], [sflag:$0x2] =	stream.linear.gather [hbm4b:s0+s2], $0xD00, $0x38;
	[tilespmem:$0x1AD00] =	vst v63  }
0xab: {  	_ =	swait.ge [sflag:s3], $0xD00  }
0xac: {  	[sflag:s3] =	ssyncset.done $0x0  }
0xad: {  	[sflag:s3] =	ssyncadd.s32 $0xFFFFF300  }
0xae: {  	[tilespmem:s4], [sflag:$0x1] =	stream.indirect.gather [hbm4b:s5+s7], $0x40, s2, s7, $0xb8;
	[tilespmem:$0x1AD00] =	vst v63  }
0xaf: {  	_ = 	snop  }
0xb0: {  	[tilespmem:s8], [sflag:$0x1] =	stream.indirect.gather [hbm4b:s5+s7], $0x40, s7, s7, $0xb8;
	[tilespmem:$0x1AD00] =	vst v63  }
0xb1: {  	s0 =	rddreg [dreg:$0x5]  }
0xb2: {  	[tilespmem:s9], [sflag:$0x1] =	stream.indirect.gather [hbm4b:s5+s7], $0x40, s0, s7, $0xb8;
	[tilespmem:$0x1AD00] =	vst v63  }
0xb3: {  	s20 =	rddreg [dreg:$0x6]  }
0xb4: {  	[tilespmem:s10], [sflag:$0x1] =	stream.indirect.gather [hbm4b:s5+s7], $0x40, s20, s7, $0xb8;
	[tilespmem:$0x1AD00] =	vst v63  }
0xb5: {  	s0 =	rddreg [dreg:$0x7]  }
0xb6: {  	[tilespmem:s11], [sflag:$0x1] =	stream.indirect.gather [hbm4b:s5+s7], $0x40, s0, s7, $0xb8;
	[tilespmem:$0x1AD00] =	vst v63  }
0xb7: {  	s20 =	rddreg [dreg:$0x8]  }
0xb8: {  	[tilespmem:s12], [sflag:$0x1] =	stream.indirect.gather [hbm4b:s5+s7], $0x40, s20, s7, $0xb8;
	[tilespmem:$0x1AD00] =	vst v63  }
0xb9: {  	s0 =	rddreg [dreg:$0x9]  }
0xba: {  	[tilespmem:s13], [sflag:$0x1] =	stream.indirect.gather [hbm4b:s5+s7], $0x40, s0, s7, $0xb8;
	[tilespmem:$0x1AD00] =	vst v63  }
0xbb: {  	s20 =	rddreg [dreg:$0xa]  }
0xbc: {  	[tilespmem:s14], [sflag:$0x1] =	stream.indirect.gather [hbm4b:s5+s7], $0x40, s20, s7, $0xb8;
	[tilespmem:$0x1AD00] =	vst v63  }
0xbd: {  	s0 =	rddreg [dreg:$0xb]  }
0xbe: {  	[tilespmem:s15], [sflag:$0x1] =	stream.indirect.gather [hbm4b:s5+s7], $0x40, s0, s7, $0xb8;
	[tilespmem:$0x1AD00] =	vst v63  }
0xbf: {  	s20 =	rddreg [dreg:$0xc]  }
0xc0: {  	[tilespmem:s16], [sflag:$0x1] =	stream.indirect.gather [hbm4b:s5+s7], $0x40, s20, s7, $0xb8;
	[tilespmem:$0x1AD00] =	vst v63  }
0xc1: {  	s0 =	rddreg [dreg:$0xd]  }
0xc2: {  	[tilespmem:s17], [sflag:$0x1] =	stream.indirect.gather [hbm4b:s5+s7], $0x40, s0, s7, $0xb8;
	[tilespmem:$0x1AD00] =	vst v63  }
0xc3: {  	s20 =	rddreg [dreg:$0xe]  }
0xc4: {  	[tilespmem:s18], [sflag:$0x1] =	stream.indirect.gather [hbm4b:s5+s7], $0x40, s20, s7, $0xb8;
	[tilespmem:$0x1AD00] =	vst v63  }
0xc5: {  	s0 =	rddreg [dreg:$0xf]  }
0xc6: {  	[tilespmem:s19], [sflag:$0x1] =	stream.indirect.gather [hbm4b:s5+s7], $0x40, s0, s7, $0xb8;
	[tilespmem:$0x1AD00] =	vst v63  }
0xc7: {  	_ =	swait.ge [sflag:s6], $0x2000  }
0xc8: {  	[sflag:s6] =	ssyncset.done $0x0  }
0xc9: {  	[sflag:s6] =	ssyncadd.s32 $0xFFFFE000  }
0xca: {  	_ =	swait.ge [sflag:s6], $0x2000  }
0xcb: {  	[sflag:s6] =	ssyncset.done $0x0  }
0xcc: {  	[sflag:s6] =	ssyncadd.s32 $0xFFFFE000  }
0xcd: {  	_ =	swait.ge [sflag:s6], $0x2000  }
0xce: {  	[sflag:s6] =	ssyncset.done $0x0  }
0xcf: {  	[sflag:s6] =	ssyncadd.s32 $0xFFFFE000  }
0xd0: {  	_ =	swait.ge [sflag:s6], $0x2000  }
0xd1: {  	[sflag:s6] =	ssyncset.done $0x0  }
0xd2: {  	[sflag:s6] =	ssyncadd.s32 $0xFFFFE000  }
0xd3: {  	_ =	swait.ge [sflag:s6], $0x2000  }
0xd4: {  	[sflag:s6] =	ssyncset.done $0x0  }
0xd5: {  	[sflag:s6] =	ssyncadd.s32 $0xFFFFE000  }
0xd6: {  	_ =	swait.ge [sflag:s6], $0x2000  }
0xd7: {  	[sflag:s6] =	ssyncset.done $0x0  }
0xd8: {  	[sflag:s6] =	ssyncadd.s32 $0xFFFFE000  }
0xd9: {  	_ =	swait.ge [sflag:s6], $0x2000  }
0xda: {  	[sflag:s6] =	ssyncset.done $0x0  }
0xdb: {  	[sflag:s6] =	ssyncadd.s32 $0xFFFFE000  }
0xdc: {  	_ =	swait.ge [sflag:s6], $0x2000  }
0xdd: {  	[sflag:s6] =	ssyncset.done $0x0  }
0xde: {  	[sflag:s6] =	ssyncadd.s32 $0xFFFFE000  }
0xdf: {  	_ =	swait.ge [sflag:s6], $0x2000  }
0xe0: {  	[sflag:s6] =	ssyncset.done $0x0  }
0xe1: {  	[sflag:s6] =	ssyncadd.s32 $0xFFFFE000  }
0xe2: {  	_ =	swait.ge [sflag:s6], $0x2000  }
0xe3: {  	[sflag:s6] =	ssyncset.done $0x0  }
0xe4: {  	[sflag:s6] =	ssyncadd.s32 $0xFFFFE000  }
0xe5: {  	_ =	swait.ge [sflag:s6], $0x2000  }
0xe6: {  	[sflag:s6] =	ssyncset.done $0x0  }
0xe7: {  	[sflag:s6] =	ssyncadd.s32 $0xFFFFE000  }
0xe8: {  	_ =	swait.ge [sflag:s6], $0x2000  }
0xe9: {  	[sflag:s6] =	ssyncset.done $0x0  }
0xea: {  	[sflag:s6] =	ssyncadd.s32 $0xFFFFE000  }
0xeb: {  	_ =	swait.ge [sflag:s6], $0x2000  }
0xec: {  	[sflag:s6] =	ssyncset.done $0x0  }
0xed: {  	s20 =	rddreg [dreg:$0x3];
	[sflag:s6] =	ssyncadd.s32 $0xFFFFE000  }
0xee: {  	[hbm4b:s20+s2] =	stream.linear.scatter [tilespmem:s4], [sflag:$0x2], $0x1A000, $0x38;
	[tilespmem:$0x1AD00] =	vst v63  }
0xef: {  	_ =	swait.ge [sflag:s3], $0x1A000  }
0xf0: {  	[sflag:s3] =	ssyncset.done $0x0  }
0xf1: {  	s0 =	rddreg [dreg:$0x10];
	[sflag:s3] =	ssyncadd.s32 $0xFFFE6000  }
0xf2: {  	[tilespmem:s4], [sflag:$0x1] =	stream.indirect.gather [hbm4b:s5+s7], $0x40, s0, s7, $0xb8;
	[tilespmem:$0x1AD00] =	vst v63  }
0xf3: {  	s20 =	rddreg [dreg:$0x11]  }
0xf4: {  	[tilespmem:s8], [sflag:$0x1] =	stream.indirect.gather [hbm4b:s5+s7], $0x40, s20, s7, $0xb8;
	[tilespmem:$0x1AD00] =	vst v63  }
0xf5: {  	s20 =	simm.s32 $0x780  }
0xf6: {  	[tilespmem:s9], [sflag:$0x1] =	stream.indirect.gather [hbm4b:s5+s7], $0x40, s20, s7, $0xb8;
	[tilespmem:$0x1AD00] =	vst v63  }
0xf7: {  	_ = 	snop  }
0xf8: {  	[tilespmem:s10], [sflag:$0x1] =	stream.indirect.gather [hbm4b:s5+s7], $0x40, s22, s7, $0xb8;
	[tilespmem:$0x1AD00] =	vst v63  }
0xf9: {  	_ = 	snop  }
0xfa: {  	[tilespmem:s11], [sflag:$0x1] =	stream.indirect.gather [hbm4b:s5+s7], $0x40, s23, s7, $0xb8;
	[tilespmem:$0x1AD00] =	vst v63  }
0xfb: {  	_ = 	snop  }
0xfc: {  	[tilespmem:s12], [sflag:$0x1] =	stream.indirect.gather [hbm4b:s5+s7], $0x40, s24, s7, $0xb8;
	[tilespmem:$0x1AD00] =	vst v63  }
0xfd: {  	_ = 	snop  }
0xfe: {  	[tilespmem:s13], [sflag:$0x1] =	stream.indirect.gather [hbm4b:s5+s7], $0x40, s25, s7, $0xb8;
	[tilespmem:$0x1AD00] =	vst v63  }
0xff: {  	_ = 	snop  }
0x100: {  	[tilespmem:s14], [sflag:$0x1] =	stream.indirect.gather [hbm4b:s5+s7], $0x40, s26, s7, $0xb8;
	[tilespmem:$0x1AD00] =	vst v63  }
0x101: {  	_ = 	snop  }
0x102: {  	[tilespmem:s15], [sflag:$0x1] =	stream.indirect.gather [hbm4b:s5+s7], $0x40, s28, s7, $0xb8;
	[tilespmem:$0x1AD00] =	vst v63  }
0x103: {  	_ = 	snop  }
0x104: {  	[tilespmem:s16], [sflag:$0x1] =	stream.indirect.gather [hbm4b:s5+s7], $0x40, s29, s7, $0xb8;
	[tilespmem:$0x1AD00] =	vst v63  }
0x105: {  	_ = 	snop  }
0x106: {  	[tilespmem:s17], [sflag:$0x1] =	stream.indirect.gather [hbm4b:s5+s7], $0x40, s30, s7, $0xb8;
	[tilespmem:$0x1AD00] =	vst v63  }
0x107: {  	_ = 	snop  }
0x108: {  	[tilespmem:s18], [sflag:$0x1] =	stream.indirect.gather [hbm4b:s5+s7], $0x40, s31, s7, $0xb8;
	[tilespmem:$0x1AD00] =	vst v63  }
0x109: {  	_ = 	snop  }
0x10a: {  	[tilespmem:s19], [sflag:$0x1] =	stream.indirect.gather [hbm4b:s5+s7], $0x40, s21, s7, $0xb8;
	[tilespmem:$0x1AD00] =	vst v63  }
0x10b: {  	_ =	swait.ge [sflag:s6], $0x2000  }
0x10c: {  	[sflag:s6] =	ssyncset.done $0x0  }
0x10d: {  	[sflag:s6] =	ssyncadd.s32 $0xFFFFE000  }
0x10e: {  	_ =	swait.ge [sflag:s6], $0x2000  }
0x10f: {  	[sflag:s6] =	ssyncset.done $0x0  }
0x110: {  	[sflag:s6] =	ssyncadd.s32 $0xFFFFE000  }
0x111: {  	_ =	swait.ge [sflag:s6], $0x2000  }
0x112: {  	[sflag:s6] =	ssyncset.done $0x0  }
0x113: {  	[sflag:s6] =	ssyncadd.s32 $0xFFFFE000  }
0x114: {  	_ =	swait.ge [sflag:s6], $0x2000  }
0x115: {  	[sflag:s6] =	ssyncset.done $0x0  }
0x116: {  	[sflag:s6] =	ssyncadd.s32 $0xFFFFE000  }
0x117: {  	_ =	swait.ge [sflag:s6], $0x2000  }
0x118: {  	[sflag:s6] =	ssyncset.done $0x0  }
0x119: {  	[sflag:s6] =	ssyncadd.s32 $0xFFFFE000  }
0x11a: {  	_ =	swait.ge [sflag:s6], $0x2000  }
0x11b: {  	[sflag:s6] =	ssyncset.done $0x0  }
0x11c: {  	[sflag:s6] =	ssyncadd.s32 $0xFFFFE000  }
0x11d: {  	_ =	swait.ge [sflag:s6], $0x2000  }
0x11e: {  	[sflag:s6] =	ssyncset.done $0x0  }
0x11f: {  	[sflag:s6] =	ssyncadd.s32 $0xFFFFE000  }
0x120: {  	_ =	swait.ge [sflag:s6], $0x2000  }
0x121: {  	[sflag:s6] =	ssyncset.done $0x0  }
0x122: {  	[sflag:s6] =	ssyncadd.s32 $0xFFFFE000  }
0x123: {  	_ =	swait.ge [sflag:s6], $0x2000  }
0x124: {  	[sflag:s6] =	ssyncset.done $0x0  }
0x125: {  	[sflag:s6] =	ssyncadd.s32 $0xFFFFE000  }
0x126: {  	_ =	swait.ge [sflag:s6], $0x2000  }
0x127: {  	[sflag:s6] =	ssyncset.done $0x0  }
0x128: {  	[sflag:s6] =	ssyncadd.s32 $0xFFFFE000  }
0x129: {  	_ =	swait.ge [sflag:s6], $0x2000  }
0x12a: {  	[sflag:s6] =	ssyncset.done $0x0  }
0x12b: {  	[sflag:s6] =	ssyncadd.s32 $0xFFFFE000  }
0x12c: {  	_ =	swait.ge [sflag:s6], $0x2000  }
0x12d: {  	[sflag:s6] =	ssyncset.done $0x0  }
0x12e: {  	[sflag:s6] =	ssyncadd.s32 $0xFFFFE000  }
0x12f: {  	p1 =	sne.s32 s1, $0x1;
	_ =	swait.ge [sflag:s6], $0x2000  }
.Ltmp2:
0x130: {  	[sflag:s6] =	ssyncset.done $0x0;
	(pc) =	sbr.rel @p1 .LBB2_4-.Ltmp2, $4  }
0x131: {  	s20 =	rddreg [dreg:$0x4];
	[sflag:s6] =	ssyncadd.s32 $0xFFFFE000  }
0x132: {  	[hbm4b:s20+s2] =	stream.linear.scatter [tilespmem:s4], [sflag:$0x2], $0x1A000, $0x38;
	[tilespmem:$0x1AD00] =	vst v63  }
0x133: {  	_ =	swait.ge [sflag:s3], $0x1A000  }
0x134: {  	s1 =	sadd.s32 $0xFFFFFFFF, s1;
	s0 =	rddreg [dreg:$0x2];
	[sflag:s3] =	ssyncset.done $0x0  }
0x135: {  	s31 =	simm.s32 $0xC00;
	s30 =	simm.s32 $0xB80  }
0x136: {  	s29 =	simm.s32 $0xB00;
	s28 =	simm.s32 $0xA80;
	s26 =	simm.s32 $0xA00  }
0x137: {  	s25 =	simm.s32 $0x980;
	s24 =	simm.s32 $0x900;
	s23 =	simm.s32 $0x880  }
0x138: {  	s22 =	simm.s32 $0x800;
	s21 =	simm.s32 $0x780;
	s20 =	stileid.u32  }
.LBB2_6:
0x139: {  	[sflag:s3] =	ssyncadd.s32 @p0 $0xFFFE6000  }
0x13a: {  	[tilespmem:s2], [sflag:$0x2] =	stream.linear.gather [hbm4b:s0+s2], $0xD00, $0x38;
	[tilespmem:$0x1AD00] =	vst v63  }
0x13b: {  	_ =	swait.ge [sflag:s3], $0xD00  }
0x13c: {  	[sflag:s3] =	ssyncset.done $0x0  }
0x13d: {  	[sflag:s3] =	ssyncadd.s32 $0xFFFFF300  }
0x13e: {  	[tilespmem:s4], [sflag:$0x1] =	stream.indirect.gather [hbm4b:s5+s7], $0x40, s2, s7, $0xb8;
	[tilespmem:$0x1AD00] =	vst v63  }
0x13f: {  	_ = 	snop  }
0x140: {  	[tilespmem:s8], [sflag:$0x1] =	stream.indirect.gather [hbm4b:s5+s7], $0x40, s7, s7, $0xb8;
	[tilespmem:$0x1AD00] =	vst v63  }
0x141: {  	s0 =	rddreg [dreg:$0x5]  }
0x142: {  	[tilespmem:s9], [sflag:$0x1] =	stream.indirect.gather [hbm4b:s5+s7], $0x40, s0, s7, $0xb8;
	[tilespmem:$0x1AD00] =	vst v63  }
0x143: {  	s1 =	rddreg [dreg:$0x6]  }
0x144: {  	[tilespmem:s10], [sflag:$0x1] =	stream.indirect.gather [hbm4b:s5+s7], $0x40, s1, s7, $0xb8;
	[tilespmem:$0x1AD00] =	vst v63  }
0x145: {  	s0 =	rddreg [dreg:$0x7]  }
0x146: {  	[tilespmem:s11], [sflag:$0x1] =	stream.indirect.gather [hbm4b:s5+s7], $0x40, s0, s7, $0xb8;
	[tilespmem:$0x1AD00] =	vst v63  }
0x147: {  	s1 =	rddreg [dreg:$0x8]  }
0x148: {  	[tilespmem:s12], [sflag:$0x1] =	stream.indirect.gather [hbm4b:s5+s7], $0x40, s1, s7, $0xb8;
	[tilespmem:$0x1AD00] =	vst v63  }
0x149: {  	s0 =	rddreg [dreg:$0x9]  }
0x14a: {  	[tilespmem:s13], [sflag:$0x1] =	stream.indirect.gather [hbm4b:s5+s7], $0x40, s0, s7, $0xb8;
	[tilespmem:$0x1AD00] =	vst v63  }
0x14b: {  	s1 =	rddreg [dreg:$0xa]  }
0x14c: {  	[tilespmem:s14], [sflag:$0x1] =	stream.indirect.gather [hbm4b:s5+s7], $0x40, s1, s7, $0xb8;
	[tilespmem:$0x1AD00] =	vst v63  }
0x14d: {  	s0 =	rddreg [dreg:$0xb]  }
0x14e: {  	[tilespmem:s15], [sflag:$0x1] =	stream.indirect.gather [hbm4b:s5+s7], $0x40, s0, s7, $0xb8;
	[tilespmem:$0x1AD00] =	vst v63  }
0x14f: {  	s1 =	rddreg [dreg:$0xc]  }
0x150: {  	[tilespmem:s16], [sflag:$0x1] =	stream.indirect.gather [hbm4b:s5+s7], $0x40, s1, s7, $0xb8;
	[tilespmem:$0x1AD00] =	vst v63  }
0x151: {  	s0 =	rddreg [dreg:$0xd]  }
0x152: {  	[tilespmem:s17], [sflag:$0x1] =	stream.indirect.gather [hbm4b:s5+s7], $0x40, s0, s7, $0xb8;
	[tilespmem:$0x1AD00] =	vst v63  }
0x153: {  	s1 =	rddreg [dreg:$0xe]  }
0x154: {  	[tilespmem:s18], [sflag:$0x1] =	stream.indirect.gather [hbm4b:s5+s7], $0x40, s1, s7, $0xb8;
	[tilespmem:$0x1AD00] =	vst v63  }
0x155: {  	s0 =	rddreg [dreg:$0xf]  }
0x156: {  	[tilespmem:s19], [sflag:$0x1] =	stream.indirect.gather [hbm4b:s5+s7], $0x40, s0, s7, $0xb8;
	[tilespmem:$0x1AD00] =	vst v63  }
0x157: {  	_ =	swait.ge [sflag:s6], $0x2000  }
0x158: {  	[sflag:s6] =	ssyncset.done $0x0  }
0x159: {  	[sflag:s6] =	ssyncadd.s32 $0xFFFFE000  }
0x15a: {  	_ =	swait.ge [sflag:s6], $0x2000  }
0x15b: {  	[sflag:s6] =	ssyncset.done $0x0  }
0x15c: {  	[sflag:s6] =	ssyncadd.s32 $0xFFFFE000  }
0x15d: {  	_ =	swait.ge [sflag:s6], $0x2000  }
0x15e: {  	[sflag:s6] =	ssyncset.done $0x0  }
0x15f: {  	[sflag:s6] =	ssyncadd.s32 $0xFFFFE000  }
0x160: {  	_ =	swait.ge [sflag:s6], $0x2000  }
0x161: {  	[sflag:s6] =	ssyncset.done $0x0  }
0x162: {  	[sflag:s6] =	ssyncadd.s32 $0xFFFFE000  }
0x163: {  	_ =	swait.ge [sflag:s6], $0x2000  }
0x164: {  	[sflag:s6] =	ssyncset.done $0x0  }
0x165: {  	[sflag:s6] =	ssyncadd.s32 $0xFFFFE000  }
0x166: {  	_ =	swait.ge [sflag:s6], $0x2000  }
0x167: {  	[sflag:s6] =	ssyncset.done $0x0  }
0x168: {  	[sflag:s6] =	ssyncadd.s32 $0xFFFFE000  }
0x169: {  	_ =	swait.ge [sflag:s6], $0x2000  }
0x16a: {  	[sflag:s6] =	ssyncset.done $0x0  }
0x16b: {  	[sflag:s6] =	ssyncadd.s32 $0xFFFFE000  }
0x16c: {  	_ =	swait.ge [sflag:s6], $0x2000  }
0x16d: {  	[sflag:s6] =	ssyncset.done $0x0  }
0x16e: {  	[sflag:s6] =	ssyncadd.s32 $0xFFFFE000  }
0x16f: {  	_ =	swait.ge [sflag:s6], $0x2000  }
0x170: {  	[sflag:s6] =	ssyncset.done $0x0  }
0x171: {  	[sflag:s6] =	ssyncadd.s32 $0xFFFFE000  }
0x172: {  	_ =	swait.ge [sflag:s6], $0x2000  }
0x173: {  	[sflag:s6] =	ssyncset.done $0x0  }
0x174: {  	[sflag:s6] =	ssyncadd.s32 $0xFFFFE000  }
0x175: {  	_ =	swait.ge [sflag:s6], $0x2000  }
0x176: {  	[sflag:s6] =	ssyncset.done $0x0  }
0x177: {  	[sflag:s6] =	ssyncadd.s32 $0xFFFFE000  }
0x178: {  	_ =	swait.ge [sflag:s6], $0x2000  }
0x179: {  	[sflag:s6] =	ssyncset.done $0x0  }
0x17a: {  	[sflag:s6] =	ssyncadd.s32 $0xFFFFE000  }
0x17b: {  	_ =	swait.ge [sflag:s6], $0x2000  }
0x17c: {  	[sflag:s6] =	ssyncset.done $0x0  }
0x17d: {  	s1 =	rddreg [dreg:$0x3];
	[sflag:s6] =	ssyncadd.s32 $0xFFFFE000  }
0x17e: {  	[hbm4b:s1+s2] =	stream.linear.scatter [tilespmem:s4], [sflag:$0x2], $0x1A000, $0x38;
	[tilespmem:$0x1AD00] =	vst v63  }
0x17f: {  	_ =	swait.ge [sflag:s3], $0x1A000  }
0x180: {  	[sflag:s3] =	ssyncset.done $0x0  }
0x181: {  	s0 =	rddreg [dreg:$0x10];
	[sflag:s3] =	ssyncadd.s32 $0xFFFE6000  }
0x182: {  	[tilespmem:s4], [sflag:$0x1] =	stream.indirect.gather [hbm4b:s5+s7], $0x40, s0, s7, $0xb8;
	[tilespmem:$0x1AD00] =	vst v63  }
0x183: {  	s1 =	rddreg [dreg:$0x11]  }
0x184: {  	[tilespmem:s8], [sflag:$0x1] =	stream.indirect.gather [hbm4b:s5+s7], $0x40, s1, s7, $0xb8;
	[tilespmem:$0x1AD00] =	vst v63  }
0x185: {  	_ = 	snop  }
0x186: {  	[tilespmem:s9], [sflag:$0x1] =	stream.indirect.gather [hbm4b:s5+s7], $0x40, s21, s7, $0xb8;
	[tilespmem:$0x1AD00] =	vst v63  }
0x187: {  	_ = 	snop  }
0x188: {  	[tilespmem:s10], [sflag:$0x1] =	stream.indirect.gather [hbm4b:s5+s7], $0x40, s22, s7, $0xb8;
	[tilespmem:$0x1AD00] =	vst v63  }
0x189: {  	_ = 	snop  }
0x18a: {  	[tilespmem:s11], [sflag:$0x1] =	stream.indirect.gather [hbm4b:s5+s7], $0x40, s23, s7, $0xb8;
	[tilespmem:$0x1AD00] =	vst v63  }
0x18b: {  	_ = 	snop  }
0x18c: {  	[tilespmem:s12], [sflag:$0x1] =	stream.indirect.gather [hbm4b:s5+s7], $0x40, s24, s7, $0xb8;
	[tilespmem:$0x1AD00] =	vst v63  }
0x18d: {  	_ = 	snop  }
0x18e: {  	[tilespmem:s13], [sflag:$0x1] =	stream.indirect.gather [hbm4b:s5+s7], $0x40, s25, s7, $0xb8;
	[tilespmem:$0x1AD00] =	vst v63  }
0x18f: {  	_ = 	snop  }
0x190: {  	[tilespmem:s14], [sflag:$0x1] =	stream.indirect.gather [hbm4b:s5+s7], $0x40, s26, s7, $0xb8;
	[tilespmem:$0x1AD00] =	vst v63  }
0x191: {  	_ = 	snop  }
0x192: {  	[tilespmem:s15], [sflag:$0x1] =	stream.indirect.gather [hbm4b:s5+s7], $0x40, s28, s7, $0xb8;
	[tilespmem:$0x1AD00] =	vst v63  }
0x193: {  	_ = 	snop  }
0x194: {  	[tilespmem:s16], [sflag:$0x1] =	stream.indirect.gather [hbm4b:s5+s7], $0x40, s29, s7, $0xb8;
	[tilespmem:$0x1AD00] =	vst v63  }
0x195: {  	_ = 	snop  }
0x196: {  	[tilespmem:s17], [sflag:$0x1] =	stream.indirect.gather [hbm4b:s5+s7], $0x40, s30, s7, $0xb8;
	[tilespmem:$0x1AD00] =	vst v63  }
0x197: {  	_ = 	snop  }
0x198: {  	[tilespmem:s18], [sflag:$0x1] =	stream.indirect.gather [hbm4b:s5+s7], $0x40, s31, s7, $0xb8;
	[tilespmem:$0x1AD00] =	vst v63  }
0x199: {  	s30 =	simm.s32 $0xC80  }
0x19a: {  	[tilespmem:s19], [sflag:$0x1] =	stream.indirect.gather [hbm4b:s5+s7], $0x40, s30, s7, $0xb8;
	[tilespmem:$0x1AD00] =	vst v63  }
0x19b: {  	_ =	swait.ge [sflag:s6], $0x2000  }
0x19c: {  	[sflag:s6] =	ssyncset.done $0x0  }
0x19d: {  	[sflag:s6] =	ssyncadd.s32 $0xFFFFE000  }
0x19e: {  	_ =	swait.ge [sflag:s6], $0x2000  }
0x19f: {  	[sflag:s6] =	ssyncset.done $0x0  }
0x1a0: {  	[sflag:s6] =	ssyncadd.s32 $0xFFFFE000  }
0x1a1: {  	_ =	swait.ge [sflag:s6], $0x2000  }
0x1a2: {  	[sflag:s6] =	ssyncset.done $0x0  }
0x1a3: {  	[sflag:s6] =	ssyncadd.s32 $0xFFFFE000  }
0x1a4: {  	_ =	swait.ge [sflag:s6], $0x2000  }
0x1a5: {  	[sflag:s6] =	ssyncset.done $0x0  }
0x1a6: {  	[sflag:s6] =	ssyncadd.s32 $0xFFFFE000  }
0x1a7: {  	_ =	swait.ge [sflag:s6], $0x2000  }
0x1a8: {  	[sflag:s6] =	ssyncset.done $0x0  }
0x1a9: {  	[sflag:s6] =	ssyncadd.s32 $0xFFFFE000  }
0x1aa: {  	_ =	swait.ge [sflag:s6], $0x2000  }
0x1ab: {  	[sflag:s6] =	ssyncset.done $0x0  }
0x1ac: {  	[sflag:s6] =	ssyncadd.s32 $0xFFFFE000  }
0x1ad: {  	_ =	swait.ge [sflag:s6], $0x2000  }
0x1ae: {  	[sflag:s6] =	ssyncset.done $0x0  }
0x1af: {  	[sflag:s6] =	ssyncadd.s32 $0xFFFFE000  }
0x1b0: {  	_ =	swait.ge [sflag:s6], $0x2000  }
0x1b1: {  	[sflag:s6] =	ssyncset.done $0x0  }
0x1b2: {  	[sflag:s6] =	ssyncadd.s32 $0xFFFFE000  }
0x1b3: {  	_ =	swait.ge [sflag:s6], $0x2000  }
0x1b4: {  	[sflag:s6] =	ssyncset.done $0x0  }
0x1b5: {  	[sflag:s6] =	ssyncadd.s32 $0xFFFFE000  }
0x1b6: {  	_ =	swait.ge [sflag:s6], $0x2000  }
0x1b7: {  	[sflag:s6] =	ssyncset.done $0x0  }
0x1b8: {  	[sflag:s6] =	ssyncadd.s32 $0xFFFFE000  }
0x1b9: {  	_ =	swait.ge [sflag:s6], $0x2000  }
0x1ba: {  	[sflag:s6] =	ssyncset.done $0x0  }
0x1bb: {  	[sflag:s6] =	ssyncadd.s32 $0xFFFFE000  }
0x1bc: {  	_ =	swait.ge [sflag:s6], $0x2000  }
0x1bd: {  	[sflag:s6] =	ssyncset.done $0x0  }
0x1be: {  	[sflag:s6] =	ssyncadd.s32 $0xFFFFE000  }
0x1bf: {  	_ =	swait.ge [sflag:s6], $0x2000  }
0x1c0: {  	[sflag:s6] =	ssyncset.done $0x0  }
0x1c1: {  	s31 =	rddreg [dreg:$0x4];
	[sflag:s6] =	ssyncadd.s32 $0xFFFFE000  }
0x1c2: {  	[hbm4b:s31+s2] =	stream.linear.scatter [tilespmem:s4], [sflag:$0x2], $0x1A000, $0x38;
	[tilespmem:$0x1AD00] =	vst v63  }
0x1c3: {  	_ =	swait.ge [sflag:s3], $0x1A000  }
0x1c4: {  	[sflag:s3] =	ssyncset.done $0x0  }
0x1c5: {  	[sflag:s3] =	ssyncadd.s32 $0xFFFE6000  }
0x1c6: {  	_ =	sfence.sel $0x180000  }
0x1c7: {  	[bflag:$0x0] =	sbarrier.arrive $0xFFFF  }
0x1c8: {  	_ =	strace $0x90000047  }
0x1c9: {  	[bflag:$0x2] =	sbarrier.arrive $0xFFFF  }
0x1ca: {  	p0 =	sne.s32 s20, $0x0;
	s0 =	rddreg [dreg:$0x1]  }
0x1cb: {  	s0 =	sadd.s32 @!p0 $0x100000, s0  }
0x1cc: {  	[sflag:s0] =	ssyncadd.tile.s32 @!p0 $0x1;
	_ =	shalt  }
.LBB2_1:
.Ltmp3:
0x1cd: {  	(pc) =	sbr.rel .LBB2_6-.Ltmp3, $4  }
0x1ce: {  	s31 =	simm.s32 $0xC00  }
0x1cf: {  	s30 =	simm.s32 $0xB80;
	s29 =	simm.s32 $0xB00;
	s28 =	simm.s32 $0xA80  }
0x1d0: {  	s26 =	simm.s32 $0xA00;
	s25 =	simm.s32 $0x980;
	s24 =	simm.s32 $0x900  }
0x1d1: {  	s23 =	simm.s32 $0x880;
	s22 =	simm.s32 $0x800;
	s21 =	simm.s32 $0x780  }
.LBB2_3:
.Ltmp4:
0x1d2: {  	(pc) =	sbr.rel .LBB2_6-.Ltmp4, $4  }
0x1d3: {  	s31 =	simm.s32 $0xC00;
	s30 =	simm.s32 $0xB80  }
0x1d4: {  	s29 =	simm.s32 $0xB00;
	s28 =	simm.s32 $0xA80;
	s26 =	simm.s32 $0xA00  }
0x1d5: {  	s25 =	simm.s32 $0x980;
	s24 =	simm.s32 $0x900;
	s23 =	simm.s32 $0x880  }
0x1d6: {  	s22 =	simm.s32 $0x800;
	s21 =	simm.s32 $0x780;
	s20 =	stileid.u32  }
.Lfunc_end2:
_tile_overlayer_lowered:
.L_overlay_start_2:
0x1d7: {  	(tag) =	ssettag $0x2  }
0x1d8: {  	s0 =	rddreg [dreg:$0x0];
	s2 =	stileid.u32  }
0x1d9: {  	s1 =	rddreg [dreg:$0x1];
	p0 =	sne.s32 s2, $0x0  }
0x1da: {  	s3 =	rddreg [dreg:$0x2];
	[bflag:$0x3] =	sbarrier.arrive $0xFFFF;
	s2 =	simm.s32 @!p0 $0x1C02  }
0x1db: {  	[timem:s3], [sflag:s2] =	dma.local @!p0 [hbm:s0], s1  }
0x1dc: {  	s0 =	simm.s32 @!p0 $0x2  }
0x1dd: {  	_ =	swait.ge @!p0 [sflag:s0], s1  }
0x1de: {  	s1 =	ssub.s32 @!p0 $0x0, s1;
	[sflag:s0] =	ssyncset.done @!p0 $0x0  }
0x1df: {  	[sflag:s0] =	ssyncadd.s32 @!p0 s1  }
0x1e0: {  	[bflag:$0x3] =	sbarrier.arrive $0xFFFF  }
0x1e1: {  	_ =	shalt  }

</sc_bundles>
